<compile_context>
chip_gen: v7x
topology: tpu7x:2x2x1
jax: 0.10.2.dev20260603
libtpu: 0.0.44.dev20260713+nightly
codegen_flags: <defaults>
</compile_context>

<pallas_src>
import functools

import jax
import jax.numpy as jnp
from jax import lax
from jax.experimental import pallas as pl
from jax.experimental.pallas import tpu as pltpu
from jax.experimental.pallas import tpu_sc as plsc

NUM_CORES = 2
NUM_SUBCORES = 16
LANES = 16

CHUNK = 80
GROUP = 25
ZROWS = 16
SUBROWS = 624
NWORKERS = NUM_CORES * NUM_SUBCORES


def _pad_edges(src, dst, n):
    e = src.shape[0]
    ngroups = -(-e // (NWORKERS * GROUP * CHUNK))
    pad = NWORKERS * ngroups * GROUP * CHUNK - e
    if pad:
        src = jnp.concatenate([src, jnp.zeros((pad,), jnp.int32)])
        dst = jnp.concatenate(
            [dst, n + (jnp.arange(pad, dtype=jnp.int32) % 8)])
    shape = (NWORKERS, ngroups, GROUP, CHUNK)
    return src.reshape(shape), dst.reshape(shape)


def _propagate(x, src4, dst4):
    n, d = x.shape
    ngroups = src4.shape[1]
    npad = n + 8
    tail = n - SUBROWS * NUM_SUBCORES

    mesh = plsc.VectorSubcoreMesh(core_axis_name="c", subcore_axis_name="s")

    @functools.partial(
        pl.kernel,
        mesh=mesh,
        out_type=jax.ShapeDtypeStruct((NUM_CORES, n, d), jnp.float32),
        scratch_types=[
            pltpu.VMEM_SHARED((npad, d), jnp.float32),
            pltpu.VMEM((2, GROUP, CHUNK), jnp.int32),
            pltpu.VMEM((2, GROUP, CHUNK), jnp.int32),
            pltpu.VMEM((2, CHUNK, d), jnp.float32),
            pltpu.SemaphoreType.DMA((2,)),
            pltpu.SemaphoreType.DMA((2,)),
            pltpu.SemaphoreType.DMA((2,)),
        ],
    )
    def prop(x_hbm, src_hbm, dst_hbm, out_hbm, acc, sidx, didx, rows, gsem,
             ssem, isem):
        cid = lax.axis_index("c")
        sid = lax.axis_index("s")
        wid = cid * NUM_SUBCORES + sid

        zero = jnp.zeros((LANES,), jnp.float32)

        def zfill(i, _):
            r = i // (d // LANES)
            col = (i % (d // LANES)) * LANES
            rows[0, r, pl.ds(col, LANES)] = zero
            return 0

        lax.fori_loop(0, CHUNK * (d // LANES), zfill, 0)
        zreps = SUBROWS // CHUNK
        zrem = SUBROWS - zreps * CHUNK
        rbase0 = sid * SUBROWS

        def zdesc(j):
            return pltpu.make_async_copy(
                rows.at[0], acc.at[pl.ds(rbase0 + j * CHUNK, CHUNK)],
                ssem.at[0])

        zrdesc = pltpu.make_async_copy(
            rows.at[0, pl.ds(0, zrem)],
            acc.at[pl.ds(rbase0 + zreps * CHUNK, zrem)], ssem.at[0])
        ztdesc = pltpu.make_async_copy(
            rows.at[0, pl.ds(0, tail)],
            acc.at[pl.ds(NUM_SUBCORES * SUBROWS, tail)], ssem.at[0])

        lax.fori_loop(0, zreps, lambda j, _: (zdesc(j).start(), 0)[1], 0)
        zrdesc.start()

        @pl.when(sid == NUM_SUBCORES - 1)
        def _():
            ztdesc.start()

        lax.fori_loop(0, zreps, lambda j, _: (zdesc(j).wait(), 0)[1], 0)
        zrdesc.wait()

        @pl.when(sid == NUM_SUBCORES - 1)
        def _():
            ztdesc.wait()

        pltpu.sync_copy(src_hbm.at[wid, 0], sidx.at[0])
        pltpu.sync_copy(dst_hbm.at[wid, 0], didx.at[0])
        plsc.subcore_barrier()

        nchunk = ngroups * GROUP

        def idx_of(ci):
            g = ci // GROUP
            return lax.rem(g, 2), ci - g * GROUP

        pltpu.async_copy(x_hbm.at[sidx.at[0, 0]], rows.at[0], gsem.at[0])

        def body(ci, _):
            b = lax.rem(ci, 2)
            nb = 1 - b
            g = ci // GROUP
            s = ci - g * GROUP
            ngb = 1 - lax.rem(g, 2)
            ib, is_ = idx_of(ci)

            @pl.when(jnp.logical_and(ci >= 1, ci + 1 < nchunk))
            def _():
                pib, pis = idx_of(ci - 1)
                pltpu.make_async_copy(rows.at[nb], acc.at[didx.at[pib, pis]],
                                      ssem.at[nb]).wait()

            @pl.when(jnp.logical_and(s == 0, (g + 1) * GROUP < nchunk))
            def _():
                pltpu.async_copy(src_hbm.at[wid, g + 1], sidx.at[ngb],
                                 isem.at[ngb])
                pltpu.async_copy(dst_hbm.at[wid, g + 1], didx.at[ngb],
                                 isem.at[ngb])

            @pl.when(jnp.logical_and(s == GROUP - 1, ci + 1 < nchunk))
            def _():
                pltpu.make_async_copy(src_hbm.at[wid, g + 1], sidx.at[ngb],
                                      isem.at[ngb]).wait()
                pltpu.make_async_copy(dst_hbm.at[wid, g + 1], didx.at[ngb],
                                      isem.at[ngb]).wait()

            @pl.when(ci + 1 < nchunk)
            def _():
                fib, fis = idx_of(ci + 1)
                pltpu.async_copy(x_hbm.at[sidx.at[fib, fis]], rows.at[nb],
                                 gsem.at[nb])

            pltpu.make_async_copy(x_hbm.at[sidx.at[ib, is_]], rows.at[b],
                                  gsem.at[b]).wait()
            pltpu.async_copy(rows.at[b], acc.at[didx.at[ib, is_]], ssem.at[b],
                             add=True)
            return 0

        lax.fori_loop(0, nchunk, body, 0)
        lb2, ls2 = (((nchunk - 2) // GROUP) % 2, (nchunk - 2) % GROUP)
        lb1, ls1 = (((nchunk - 1) // GROUP) % 2, (nchunk - 1) % GROUP)
        pltpu.make_async_copy(rows.at[nchunk % 2], acc.at[didx.at[lb2, ls2]],
                              ssem.at[nchunk % 2]).wait()
        pltpu.make_async_copy(rows.at[(nchunk - 1) % 2],
                              acc.at[didx.at[lb1, ls1]],
                              ssem.at[(nchunk - 1) % 2]).wait()
        plsc.subcore_barrier()

        rbase = sid * SUBROWS
        pltpu.sync_copy(acc.at[pl.ds(rbase, SUBROWS)],
                        out_hbm.at[cid, pl.ds(rbase, SUBROWS)])

        @pl.when(sid == NUM_SUBCORES - 1)
        def _():
            tbase = NUM_SUBCORES * SUBROWS
            pltpu.sync_copy(acc.at[pl.ds(tbase, tail)],
                            out_hbm.at[cid, pl.ds(tbase, tail)])

    return prop(x, src4, dst4)


def _dense(p, w, block, final):
    n = p.shape[1]
    d = p.shape[2]

    def body(p_ref, w_ref, o_ref):
        h = p_ref[0] + p_ref[1]
        z = lax.dot_general(h, w_ref[...], (((1,), (1,)), ((), ())),
                            preferred_element_type=jnp.float32)
        if final:
            m = jnp.max(z, axis=1, keepdims=True)
            s = z - m
            lse = jnp.log(jnp.sum(jnp.exp(s), axis=1, keepdims=True))
            o_ref[...] = s - lse
        else:
            o_ref[...] = jnp.maximum(z, 0.0)

    return pl.pallas_call(
        body,
        grid=(n // block,),
        in_specs=[
            pl.BlockSpec((NUM_CORES, block, d), lambda i: (0, i, 0)),
            pl.BlockSpec((d, d), lambda i: (0, 0)),
        ],
        out_specs=pl.BlockSpec((block, d), lambda i: (i, 0)),
        out_shape=jax.ShapeDtypeStruct((n, d), jnp.float32),
    )(p, w)


def kernel(x, edge_index, W1, W2):
    src4, dst4 = _pad_edges(edge_index[0], edge_index[1], x.shape[0])
    p = _propagate(x, src4, dst4)
    h = _dense(p, W1, 1000, final=False)
    q = _propagate(h, src4, dst4)
    return _dense(q, W2, 1000, final=True)

# --- scband reference (transcript-rebuilt; emitter-appended) ---
"""Pipeline reference for scband-gcn-62448824484016 (READ-ONLY COPY).

The authoritative reference and input builder live on the scoring server;
editing this copy changes nothing except your own understanding.
"""

import jax, jax.numpy as jnp
import numpy as np

N = 10000
E = 320000
D = 128

def setup_inputs(seed: int = 0) -> dict:
    key = jax.random.key(seed)
    k1, k2, k3, k4 = jax.random.split(key, 4)
    x = jax.random.normal(k1, (N, D), dtype=jnp.float32)
    edge_index = jax.random.randint(k2, (2, E), 0, N).astype(jnp.int32)
    # torch.nn.Linear weights: shape [out_features, in_features]
    W1 = jax.random.normal(k3, (D, D), dtype=jnp.float32) * 0.05
    W2 = jax.random.normal(k4, (D, D), dtype=jnp.float32) * 0.05
    return {"x": x, "edge_index": edge_index, "W1": W1, "W2": W2}

def reference(x, edge_index, W1, W2):
    # SLPropagate(add_self_loops=False, normalize=False): plain sum aggregation
    # out[dst] = sum_{edges (src,dst)} x[src]
    src = edge_index[0]
    dst = edge_index[1]
    n = x.shape[0]
    # P1: gather source features, scatter-add into destination nodes
    h = jax.ops.segment_sum(jnp.take(x, src, axis=0), dst, num_segments=n)
    # lin1 (no bias) + relu
    h = jnp.maximum(h @ W1.T, 0.0)
    # P2
    h = jax.ops.segment_sum(jnp.take(h, src, axis=0), dst, num_segments=n)
    # lin2 (no bias)
    h = h @ W2.T
    # log_softmax over feature dim
    return jax.nn.log_softmax(h, axis=1)

if __name__ == "__main__":
    import jax
    _d = setup_inputs()
    print(jax.jit(kernel)(*tuple(_d.values())))

</pallas_src>

<mosaic_0001>
#map = affine_map<(d0, d1) -> (0, 0)>
#map1 = affine_map<(d0, d1) -> (0, 0, 0, 0)>
#map2 = affine_map<(d0, d1) -> (0, 0, 0)>
module attributes {stable_mosaic.version = 14 : i64} {
  func.func @prop(%arg0: i32, %arg1: i32, %arg2: memref<10000x128xf32, #tpu.memory_space<hbm>>, %arg3: memref<32x5x25x80xi32, #tpu.memory_space<hbm>>, %arg4: memref<32x5x25x80xi32, #tpu.memory_space<hbm>>, %arg5: memref<2x10000x128xf32, #tpu.memory_space<hbm>>, %arg6: memref<10008x128xf32, #tpu.memory_space<vmem_shared>>, %arg7: memref<2x25x80xi32, #tpu.memory_space<vmem>>, %arg8: memref<2x25x80xi32, #tpu.memory_space<vmem>>, %arg9: memref<2x80x128xf32, #tpu.memory_space<vmem>>, %arg10: memref<2x!tpu.dma_semaphore, #tpu.memory_space<semaphore_mem>>, %arg11: memref<2x!tpu.dma_semaphore, #tpu.memory_space<semaphore_mem>>, %arg12: memref<2x!tpu.dma_semaphore, #tpu.memory_space<semaphore_mem>>) attributes {dimension_semantics = [#tpu.dimension_semantics<core_parallel>, #tpu.dimension_semantics<subcore_parallel>], iteration_bounds = array<i64: 2, 16>, scalar_prefetch = 0 : i64, scratch_operands = 7 : i64, tpu.core_type = #tpu.core_type<sc_vector_subcore>, window_params = [{transform_indices = #map}, {transform_indices = #map1}, {transform_indices = #map1}, {transform_indices = #map2}]} {
    %mul3A = arith.constant 16 : i32
    %mul3A_0 = arith.muli %arg0, %mul3A : i32
    %add3A = arith.addi %mul3A_0, %arg1 : i32
    %broadcast_in_dim3A = arith.constant 0.000000e+00 : f32
    %broadcast_in_dim3A_1 = vector.broadcast %broadcast_in_dim3A : f32 to vector<16xf32>
    %scan3A = arith.constant 0 : i32
    %scan3A_2 = arith.constant 0 : i32
    %scan3A_3 = arith.constant 640 : i32
    %scan3A_4 = arith.addi %scan3A_2, %scan3A_3 : i32
    %scan3A_5 = arith.constant 1 : i32
    %scan3A_6 = scf.for %scan3A_133 = %scan3A_2 to %scan3A_4 step %scan3A_5 iter_args(%scan3A_134 = %scan3A) -> (i32)  : i32 {
      %jit3A = arith.constant 8 : i32
      %div3A = arith.divsi %scan3A_133, %jit3A : i32
      %sign3A = arith.constant 0 : i32
      %sign3A_135 = arith.cmpi sgt, %scan3A_133, %sign3A : i32
      %sign3A_136 = arith.extui %sign3A_135 : i1 to i32
      %sign3A_137 = arith.constant 0 : i32
      %sign3A_138 = arith.cmpi slt, %scan3A_133, %sign3A_137 : i32
      %sign3A_139 = arith.extui %sign3A_138 : i1 to i32
      %sign3A_140 = arith.subi %sign3A_136, %sign3A_139 : i32
      %sign3A_141 = arith.constant 0 : i32
      %sign3A_142 = arith.cmpi sgt, %jit3A, %sign3A_141 : i32
      %sign3A_143 = arith.extui %sign3A_142 : i1 to i32
      %sign3A_144 = arith.constant 0 : i32
      %sign3A_145 = arith.cmpi slt, %jit3A, %sign3A_144 : i32
      %sign3A_146 = arith.extui %sign3A_145 : i1 to i32
      %sign3A_147 = arith.subi %sign3A_143, %sign3A_146 : i32
      %ne3A = arith.cmpi ne, %sign3A_140, %sign3A_147 : i32
      %rem3A = arith.remsi %scan3A_133, %jit3A : i32
      %ne3A_148 = arith.constant 0 : i32
      %ne3A_149 = arith.cmpi ne, %rem3A, %ne3A_148 : i32
      %and3A = arith.andi %ne3A, %ne3A_149 : i1
      %sub3A = arith.constant 1 : i32
      %sub3A_150 = arith.subi %div3A, %sub3A : i32
      %select_n3A = arith.select %and3A, %sub3A_150, %div3A : i32
      %jit3A_151 = arith.constant 8 : i32
      %eq3A_152 = arith.constant 0 : i32
      %eq3A_153 = arith.cmpi eq, %jit3A_151, %eq3A_152 : i32
      %jit3A_154 = arith.constant 1 : i32
      %select_n3A_155 = arith.select %eq3A_153, %jit3A_154, %jit3A_151 : i32
      %rem3A_156 = arith.remsi %scan3A_133, %select_n3A_155 : i32
      %ne3A_157 = arith.constant 0 : i32
      %ne3A_158 = arith.cmpi ne, %rem3A_156, %ne3A_157 : i32
      %lt3A = arith.constant 0 : i32
      %lt3A_159 = arith.cmpi slt, %rem3A_156, %lt3A : i32
      %lt3A_160 = arith.constant 0 : i32
      %lt3A_161 = arith.cmpi slt, %select_n3A_155, %lt3A_160 : i32
      %ne3A_162 = arith.xori %lt3A_159, %lt3A_161 : i1
      %and3A_163 = arith.andi %ne3A_162, %ne3A_158 : i1
      %add3A_164 = arith.addi %rem3A_156, %select_n3A_155 : i32
      %select_n3A_165 = arith.select %and3A_163, %add3A_164, %rem3A_156 : i32
      %mul3A_166 = arith.constant 16 : i32
      %mul3A_167 = arith.muli %select_n3A_165, %mul3A_166 : i32
      %swap3A = arith.constant 0 : i32
      %swap3A_168 = arith.index_cast %swap3A : i32 to index
      %swap3A_169 = arith.index_cast %select_n3A : i32 to index
      %swap3A_170 = arith.index_cast %mul3A_167 : i32 to index
      %swap3A_171 = tpu.vector_load %arg9[%swap3A_168, %swap3A_169, %swap3A_170] {strides = array<i32>} : memref<2x80x128xf32, #tpu.memory_space<vmem>>, vector<1x1x16xf32>,
      %swap3A_172 = vector.shape_cast %swap3A_171 : vector<1x1x16xf32> to vector<16xf32>
      %swap3A_173 = vector.shape_cast %broadcast_in_dim3A_1 : vector<16xf32> to vector<1x1x16xf32>
      tpu.vector_store %arg9[%swap3A_168, %swap3A_169, %swap3A_170], %swap3A_173 {strides = array<i32>} : memref<2x80x128xf32, #tpu.memory_space<vmem>>, vector<1x1x16xf32>,
      %scan3A_174 = arith.constant 0 : i32
      scf.yield %scan3A_174 : i32
    }
    %scan3A_7 = arith.constant 640 : i32
    %mul3A_8 = arith.constant 624 : i32
    %mul3A_9 = arith.muli %arg1, %mul3A_8 : i32
    %add3A_10 = arith.constant 560 : i32
    %add3A_11 = arith.addi %mul3A_9, %add3A_10 : i32
    %scan3A_12 = arith.constant 0 : i32
    %scan3A_13 = arith.constant 0 : i32
    %scan3A_14 = arith.constant 7 : i32
    %scan3A_15 = arith.addi %scan3A_13, %scan3A_14 : i32
    %scan3A_16 = arith.constant 1 : i32
    %scan3A_17 = scf.for %scan3A_133 = %scan3A_13 to %scan3A_15 step %scan3A_16 iter_args(%scan3A_134 = %scan3A_12) -> (i32)  : i32 {
      %mul3A_135 = arith.constant 80 : i32
      %mul3A_136 = arith.muli %scan3A_133, %mul3A_135 : i32
      %add3A_137 = arith.addi %mul3A_9, %mul3A_136 : i32
      %dma_start3A_138 = arith.constant 0 : i32
      %dma_start3A_139 = arith.constant 0 : i32
      %dma_start3A_140 = arith.constant 0 : i32
      %dma_start3A_141 = arith.constant 0 : i32
      %dma_start3A_142 = tpu.memref_slice %arg9[%dma_start3A_138, %dma_start3A_140, %dma_start3A_141] : memref<2x80x128xf32, #tpu.memory_space<vmem>> -> memref<1x80x128xf32, #tpu.memory_space<vmem>>
      %dma_start3A_143 = tpu.memref_squeeze %dma_start3A_142 : memref<1x80x128xf32, #tpu.memory_space<vmem>> -> memref<80x128xf32, #tpu.memory_space<vmem>>
      %dma_start3A_144 = arith.constant 0 : i32
      %dma_start3A_145 = tpu.memref_slice %arg6[%add3A_137, %dma_start3A_144] : memref<10008x128xf32, #tpu.memory_space<vmem_shared>> -> memref<80x128xf32, #tpu.memory_space<vmem_shared>>
      %dma_start3A_146 = tpu.memref_slice %arg11[%dma_start3A_139] : memref<2x!tpu.dma_semaphore, #tpu.memory_space<semaphore_mem>> -> memref<1x!tpu.dma_semaphore, #tpu.memory_space<semaphore_mem>>
      %dma_start3A_147 = tpu.memref_squeeze %dma_start3A_146 : memref<1x!tpu.dma_semaphore, #tpu.memory_space<semaphore_mem>> -> memref<!tpu.dma_semaphore, #tpu.memory_space<semaphore_mem>>
      %dma_start3A_148 = arith.constant 0 : i32
      %dma_start3A_149 = tpu.memref_slice %arg6[%add3A_137, %dma_start3A_148] : memref<10008x128xf32, #tpu.memory_space<vmem_shared>> -> memref<80x128xf32, #tpu.memory_space<vmem_shared>>
      %dma_start3A_150 = arith.constant 0 : i32
      %dma_start3A_151 = arith.constant 0 : i32
      %dma_start3A_152 = tpu.memref_slice %arg9[%dma_start3A_138, %dma_start3A_150, %dma_start3A_151] : memref<2x80x128xf32, #tpu.memory_space<vmem>> -> memref<1x80x128xf32, #tpu.memory_space<vmem>>
      %dma_start3A_153 = tpu.memref_squeeze %dma_start3A_152 : memref<1x80x128xf32, #tpu.memory_space<vmem>> -> memref<80x128xf32, #tpu.memory_space<vmem>>
      tpu.enqueue_dma source(%dma_start3A_153 : memref<80x128xf32, #tpu.memory_space<vmem>>) target(%dma_start3A_149 : memref<80x128xf32, #tpu.memory_space<vmem_shared>>) target_semaphore(%dma_start3A_147 : memref<!tpu.dma_semaphore, #tpu.memory_space<semaphore_mem>>)
      %scan3A_154 = arith.constant 0 : i32
      scf.yield %scan3A_154 : i32
    }
    %scan3A_18 = arith.constant 7 : i32
    %dma_start3A = arith.constant 0 : i32
    %dma_start3A_19 = arith.constant 0 : i32
    %dma_start3A_20 = arith.constant 0 : i32
    %dma_start3A_21 = arith.constant 0 : i32
    %dma_start3A_22 = tpu.memref_slice %arg9[%dma_start3A, %dma_start3A_20, %dma_start3A_21] : memref<2x80x128xf32, #tpu.memory_space<vmem>> -> memref<1x64x128xf32, #tpu.memory_space<vmem>>
    %dma_start3A_23 = tpu.memref_squeeze %dma_start3A_22 : memref<1x64x128xf32, #tpu.memory_space<vmem>> -> memref<64x128xf32, #tpu.memory_space<vmem>>
    %dma_start3A_24 = arith.constant 0 : i32
    %dma_start3A_25 = tpu.memref_slice %arg6[%add3A_11, %dma_start3A_24] : memref<10008x128xf32, #tpu.memory_space<vmem_shared>> -> memref<64x128xf32, #tpu.memory_space<vmem_shared>>
    %dma_start3A_26 = tpu.memref_slice %arg11[%dma_start3A_19] : memref<2x!tpu.dma_semaphore, #tpu.memory_space<semaphore_mem>> -> memref<1x!tpu.dma_semaphore, #tpu.memory_space<semaphore_mem>>
    %dma_start3A_27 = tpu.memref_squeeze %dma_start3A_26 : memref<1x!tpu.dma_semaphore, #tpu.memory_space<semaphore_mem>> -> memref<!tpu.dma_semaphore, #tpu.memory_space<semaphore_mem>>
    %dma_start3A_28 = arith.constant 0 : i32
    %dma_start3A_29 = tpu.memref_slice %arg6[%add3A_11, %dma_start3A_28] : memref<10008x128xf32, #tpu.memory_space<vmem_shared>> -> memref<64x128xf32, #tpu.memory_space<vmem_shared>>
    %dma_start3A_30 = arith.constant 0 : i32
    %dma_start3A_31 = arith.constant 0 : i32
    %dma_start3A_32 = tpu.memref_slice %arg9[%dma_start3A, %dma_start3A_30, %dma_start3A_31] : memref<2x80x128xf32, #tpu.memory_space<vmem>> -> memref<1x64x128xf32, #tpu.memory_space<vmem>>
    %dma_start3A_33 = tpu.memref_squeeze %dma_start3A_32 : memref<1x64x128xf32, #tpu.memory_space<vmem>> -> memref<64x128xf32, #tpu.memory_space<vmem>>
    tpu.enqueue_dma source(%dma_start3A_33 : memref<64x128xf32, #tpu.memory_space<vmem>>) target(%dma_start3A_29 : memref<64x128xf32, #tpu.memory_space<vmem_shared>>) target_semaphore(%dma_start3A_27 : memref<!tpu.dma_semaphore, #tpu.memory_space<semaphore_mem>>)
    %eq3A = arith.constant 15 : i32
    %eq3A_34 = arith.cmpi eq, %arg1, %eq3A : i32
    %convert_element_type3A = arith.extui %eq3A_34 : i1 to i32
    %cond3A = arith.constant 0 : i32
    %cond3A_35 = arith.constant 0 : i32
    %cond3A_36 = arith.constant 0 : i32
    %cond3A_37 = arith.cmpi ne, %convert_element_type3A, %cond3A_36 : i32
    scf.if %cond3A_37 {
      %dma_start3A_133 = arith.constant 0 : i32
      %dma_start3A_134 = arith.constant 0 : i32
      %dma_start3A_135 = tpu.memref_slice %arg9[%cond3A, %dma_start3A_133, %dma_start3A_134] : memref<2x80x128xf32, #tpu.memory_space<vmem>> -> memref<1x16x128xf32, #tpu.memory_space<vmem>>
      %dma_start3A_136 = tpu.memref_squeeze %dma_start3A_135 : memref<1x16x128xf32, #tpu.memory_space<vmem>> -> memref<16x128xf32, #tpu.memory_space<vmem>>
      %dma_start3A_137 = arith.constant 9984 : i32
      %dma_start3A_138 = arith.constant 0 : i32
      %dma_start3A_139 = tpu.memref_slice %arg6[%dma_start3A_137, %dma_start3A_138] : memref<10008x128xf32, #tpu.memory_space<vmem_shared>> -> memref<16x128xf32, #tpu.memory_space<vmem_shared>>
      %dma_start3A_140 = tpu.memref_slice %arg11[%cond3A_35] : memref<2x!tpu.dma_semaphore, #tpu.memory_space<semaphore_mem>> -> memref<1x!tpu.dma_semaphore, #tpu.memory_space<semaphore_mem>>
      %dma_start3A_141 = tpu.memref_squeeze %dma_start3A_140 : memref<1x!tpu.dma_semaphore, #tpu.memory_space<semaphore_mem>> -> memref<!tpu.dma_semaphore, #tpu.memory_space<semaphore_mem>>
      %dma_start3A_142 = arith.constant 9984 : i32
      %dma_start3A_143 = arith.constant 0 : i32
      %dma_start3A_144 = tpu.memref_slice %arg6[%dma_start3A_142, %dma_start3A_143] : memref<10008x128xf32, #tpu.memory_space<vmem_shared>> -> memref<16x128xf32, #tpu.memory_space<vmem_shared>>
      %dma_start3A_145 = arith.constant 0 : i32
      %dma_start3A_146 = arith.constant 0 : i32
      %dma_start3A_147 = tpu.memref_slice %arg9[%cond3A, %dma_start3A_145, %dma_start3A_146] : memref<2x80x128xf32, #tpu.memory_space<vmem>> -> memref<1x16x128xf32, #tpu.memory_space<vmem>>
      %dma_start3A_148 = tpu.memref_squeeze %dma_start3A_147 : memref<1x16x128xf32, #tpu.memory_space<vmem>> -> memref<16x128xf32, #tpu.memory_space<vmem>>
      tpu.enqueue_dma source(%dma_start3A_148 : memref<16x128xf32, #tpu.memory_space<vmem>>) target(%dma_start3A_144 : memref<16x128xf32, #tpu.memory_space<vmem_shared>>) target_semaphore(%dma_start3A_141 : memref<!tpu.dma_semaphore, #tpu.memory_space<semaphore_mem>>)
    } else {
    }
    %scan3A_38 = arith.constant 0 : i32
    %scan3A_39 = arith.constant 0 : i32
    %scan3A_40 = arith.constant 7 : i32
    %scan3A_41 = arith.addi %scan3A_39, %scan3A_40 : i32
    %scan3A_42 = arith.constant 1 : i32
    %scan3A_43 = scf.for %scan3A_133 = %scan3A_39 to %scan3A_41 step %scan3A_42 iter_args(%scan3A_134 = %scan3A_38) -> (i32)  : i32 {
      %mul3A_135 = arith.constant 80 : i32
      %mul3A_136 = arith.muli %scan3A_133, %mul3A_135 : i32
      %add3A_137 = arith.addi %mul3A_9, %mul3A_136 : i32
      %dma_wait3A_138 = arith.constant 0 : i32
      %dma_wait3A_139 = arith.constant 0 : i32
      %dma_wait3A_140 = arith.constant 0 : i32
      %dma_wait3A_141 = arith.constant 0 : i32
      %dma_wait3A_142 = tpu.memref_slice %arg9[%dma_wait3A_138, %dma_wait3A_140, %dma_wait3A_141] : memref<2x80x128xf32, #tpu.memory_space<vmem>> -> memref<1x80x128xf32, #tpu.memory_space<vmem>>
      %dma_wait3A_143 = tpu.memref_squeeze %dma_wait3A_142 : memref<1x80x128xf32, #tpu.memory_space<vmem>> -> memref<80x128xf32, #tpu.memory_space<vmem>>
      %dma_wait3A_144 = arith.constant 0 : i32
      %dma_wait3A_145 = tpu.memref_slice %arg6[%add3A_137, %dma_wait3A_144] : memref<10008x128xf32, #tpu.memory_space<vmem_shared>> -> memref<80x128xf32, #tpu.memory_space<vmem_shared>>
      %dma_wait3A_146 = tpu.memref_slice %arg11[%dma_wait3A_139] : memref<2x!tpu.dma_semaphore, #tpu.memory_space<semaphore_mem>> -> memref<1x!tpu.dma_semaphore, #tpu.memory_space<semaphore_mem>>
      %dma_wait3A_147 = tpu.memref_squeeze %dma_wait3A_146 : memref<1x!tpu.dma_semaphore, #tpu.memory_space<semaphore_mem>> -> memref<!tpu.dma_semaphore, #tpu.memory_space<semaphore_mem>>
      %dma_wait3A_148 = arith.constant 0 : i32
      %dma_wait3A_149 = tpu.memref_slice %arg6[%add3A_137, %dma_wait3A_148] : memref<10008x128xf32, #tpu.memory_space<vmem_shared>> -> memref<80x128xf32, #tpu.memory_space<vmem_shared>>
      %dma_wait3A_150 = arith.constant 0 : i32
      %dma_wait3A_151 = arith.constant 0 : i32
      %dma_wait3A_152 = tpu.memref_slice %arg9[%dma_wait3A_138, %dma_wait3A_150, %dma_wait3A_151] : memref<2x80x128xf32, #tpu.memory_space<vmem>> -> memref<1x80x128xf32, #tpu.memory_space<vmem>>
      %dma_wait3A_153 = tpu.memref_squeeze %dma_wait3A_152 : memref<1x80x128xf32, #tpu.memory_space<vmem>> -> memref<80x128xf32, #tpu.memory_space<vmem>>
      tpu.wait_dma2 semaphore(%dma_wait3A_147 : memref<!tpu.dma_semaphore, #tpu.memory_space<semaphore_mem>>) src(%dma_wait3A_153 : memref<80x128xf32, #tpu.memory_space<vmem>>) dst(%dma_wait3A_149 : memref<80x128xf32, #tpu.memory_space<vmem_shared>>)
      %scan3A_154 = arith.constant 0 : i32
      scf.yield %scan3A_154 : i32
    }
    %scan3A_44 = arith.constant 7 : i32
    %dma_wait3A = arith.constant 0 : i32
    %dma_wait3A_45 = arith.constant 0 : i32
    %dma_wait3A_46 = arith.constant 0 : i32
    %dma_wait3A_47 = arith.constant 0 : i32
    %dma_wait3A_48 = tpu.memref_slice %arg9[%dma_wait3A, %dma_wait3A_46, %dma_wait3A_47] : memref<2x80x128xf32, #tpu.memory_space<vmem>> -> memref<1x64x128xf32, #tpu.memory_space<vmem>>
    %dma_wait3A_49 = tpu.memref_squeeze %dma_wait3A_48 : memref<1x64x128xf32, #tpu.memory_space<vmem>> -> memref<64x128xf32, #tpu.memory_space<vmem>>
    %dma_wait3A_50 = arith.constant 0 : i32
    %dma_wait3A_51 = tpu.memref_slice %arg6[%add3A_11, %dma_wait3A_50] : memref<10008x128xf32, #tpu.memory_space<vmem_shared>> -> memref<64x128xf32, #tpu.memory_space<vmem_shared>>
    %dma_wait3A_52 = tpu.memref_slice %arg11[%dma_wait3A_45] : memref<2x!tpu.dma_semaphore, #tpu.memory_space<semaphore_mem>> -> memref<1x!tpu.dma_semaphore, #tpu.memory_space<semaphore_mem>>
    %dma_wait3A_53 = tpu.memref_squeeze %dma_wait3A_52 : memref<1x!tpu.dma_semaphore, #tpu.memory_space<semaphore_mem>> -> memref<!tpu.dma_semaphore, #tpu.memory_space<semaphore_mem>>
    %dma_wait3A_54 = arith.constant 0 : i32
    %dma_wait3A_55 = tpu.memref_slice %arg6[%add3A_11, %dma_wait3A_54] : memref<10008x128xf32, #tpu.memory_space<vmem_shared>> -> memref<64x128xf32, #tpu.memory_space<vmem_shared>>
    %dma_wait3A_56 = arith.constant 0 : i32
    %dma_wait3A_57 = arith.constant 0 : i32
    %dma_wait3A_58 = tpu.memref_slice %arg9[%dma_wait3A, %dma_wait3A_56, %dma_wait3A_57] : memref<2x80x128xf32, #tpu.memory_space<vmem>> -> memref<1x64x128xf32, #tpu.memory_space<vmem>>
    %dma_wait3A_59 = tpu.memref_squeeze %dma_wait3A_58 : memref<1x64x128xf32, #tpu.memory_space<vmem>> -> memref<64x128xf32, #tpu.memory_space<vmem>>
    tpu.wait_dma2 semaphore(%dma_wait3A_53 : memref<!tpu.dma_semaphore, #tpu.memory_space<semaphore_mem>>) src(%dma_wait3A_59 : memref<64x128xf32, #tpu.memory_space<vmem>>) dst(%dma_wait3A_55 : memref<64x128xf32, #tpu.memory_space<vmem_shared>>)
    %eq3A_60 = arith.constant 15 : i32
    %eq3A_61 = arith.cmpi eq, %arg1, %eq3A_60 : i32
    %convert_element_type3A_62 = arith.extui %eq3A_61 : i1 to i32
    %cond3A_63 = arith.constant 0 : i32
    %cond3A_64 = arith.constant 0 : i32
    %cond3A_65 = arith.constant 0 : i32
    %cond3A_66 = arith.cmpi ne, %convert_element_type3A_62, %cond3A_65 : i32
    scf.if %cond3A_66 {
      %dma_wait3A_133 = arith.constant 0 : i32
      %dma_wait3A_134 = arith.constant 0 : i32
      %dma_wait3A_135 = tpu.memref_slice %arg9[%cond3A_63, %dma_wait3A_133, %dma_wait3A_134] : memref<2x80x128xf32, #tpu.memory_space<vmem>> -> memref<1x16x128xf32, #tpu.memory_space<vmem>>
      %dma_wait3A_136 = tpu.memref_squeeze %dma_wait3A_135 : memref<1x16x128xf32, #tpu.memory_space<vmem>> -> memref<16x128xf32, #tpu.memory_space<vmem>>
      %dma_wait3A_137 = arith.constant 9984 : i32
      %dma_wait3A_138 = arith.constant 0 : i32
      %dma_wait3A_139 = tpu.memref_slice %arg6[%dma_wait3A_137, %dma_wait3A_138] : memref<10008x128xf32, #tpu.memory_space<vmem_shared>> -> memref<16x128xf32, #tpu.memory_space<vmem_shared>>
      %dma_wait3A_140 = tpu.memref_slice %arg11[%cond3A_64] : memref<2x!tpu.dma_semaphore, #tpu.memory_space<semaphore_mem>> -> memref<1x!tpu.dma_semaphore, #tpu.memory_space<semaphore_mem>>
      %dma_wait3A_141 = tpu.memref_squeeze %dma_wait3A_140 : memref<1x!tpu.dma_semaphore, #tpu.memory_space<semaphore_mem>> -> memref<!tpu.dma_semaphore, #tpu.memory_space<semaphore_mem>>
      %dma_wait3A_142 = arith.constant 9984 : i32
      %dma_wait3A_143 = arith.constant 0 : i32
      %dma_wait3A_144 = tpu.memref_slice %arg6[%dma_wait3A_142, %dma_wait3A_143] : memref<10008x128xf32, #tpu.memory_space<vmem_shared>> -> memref<16x128xf32, #tpu.memory_space<vmem_shared>>
      %dma_wait3A_145 = arith.constant 0 : i32
      %dma_wait3A_146 = arith.constant 0 : i32
      %dma_wait3A_147 = tpu.memref_slice %arg9[%cond3A_63, %dma_wait3A_145, %dma_wait3A_146] : memref<2x80x128xf32, #tpu.memory_space<vmem>> -> memref<1x16x128xf32, #tpu.memory_space<vmem>>
      %dma_wait3A_148 = tpu.memref_squeeze %dma_wait3A_147 : memref<1x16x128xf32, #tpu.memory_space<vmem>> -> memref<16x128xf32, #tpu.memory_space<vmem>>
      tpu.wait_dma2 semaphore(%dma_wait3A_141 : memref<!tpu.dma_semaphore, #tpu.memory_space<semaphore_mem>>) src(%dma_wait3A_148 : memref<16x128xf32, #tpu.memory_space<vmem>>) dst(%dma_wait3A_144 : memref<16x128xf32, #tpu.memory_space<vmem_shared>>)
    } else {
    }
    %run_scoped3A = arith.constant 0 : i32
    %run_scoped3A_67 = arith.constant 0 : i32
    "tpu.region"() ({
      %run_scoped3A_133 = tpu.sem_alloc : memref<!tpu.dma_semaphore, #tpu.memory_space<semaphore_mem>>
      %dma_start3A_134 = arith.constant 0 : i32
      %dma_start3A_135 = arith.constant 0 : i32
      %dma_start3A_136 = tpu.memref_slice %arg7[%run_scoped3A_67, %dma_start3A_134, %dma_start3A_135] : memref<2x25x80xi32, #tpu.memory_space<vmem>> -> memref<1x25x80xi32, #tpu.memory_space<vmem>>
      %dma_start3A_137 = tpu.memref_squeeze %dma_start3A_136 : memref<1x25x80xi32, #tpu.memory_space<vmem>> -> memref<25x80xi32, #tpu.memory_space<vmem>>
      %dma_start3A_138 = arith.constant 0 : i32
      %dma_start3A_139 = arith.constant 0 : i32
      %dma_start3A_140 = tpu.memref_slice %arg3[%add3A, %run_scoped3A, %dma_start3A_138, %dma_start3A_139] : memref<32x5x25x80xi32, #tpu.memory_space<hbm>> -> memref<1x1x25x80xi32, #tpu.memory_space<hbm>>
      %dma_start3A_141 = tpu.memref_squeeze %dma_start3A_140 : memref<1x1x25x80xi32, #tpu.memory_space<hbm>> -> memref<25x80xi32, #tpu.memory_space<hbm>>
      %dma_start3A_142 = arith.constant 0 : i32
      %dma_start3A_143 = arith.constant 0 : i32
      %dma_start3A_144 = tpu.memref_slice %arg7[%run_scoped3A_67, %dma_start3A_142, %dma_start3A_143] : memref<2x25x80xi32, #tpu.memory_space<vmem>> -> memref<1x25x80xi32, #tpu.memory_space<vmem>>
      %dma_start3A_145 = tpu.memref_squeeze %dma_start3A_144 : memref<1x25x80xi32, #tpu.memory_space<vmem>> -> memref<25x80xi32, #tpu.memory_space<vmem>>
      %dma_start3A_146 = arith.constant 0 : i32
      %dma_start3A_147 = arith.constant 0 : i32
      %dma_start3A_148 = tpu.memref_slice %arg3[%add3A, %run_scoped3A, %dma_start3A_146, %dma_start3A_147] : memref<32x5x25x80xi32, #tpu.memory_space<hbm>> -> memref<1x1x25x80xi32, #tpu.memory_space<hbm>>
      %dma_start3A_149 = tpu.memref_squeeze %dma_start3A_148 : memref<1x1x25x80xi32, #tpu.memory_space<hbm>> -> memref<25x80xi32, #tpu.memory_space<hbm>>
      tpu.enqueue_dma source(%dma_start3A_149 : memref<25x80xi32, #tpu.memory_space<hbm>>) target(%dma_start3A_145 : memref<25x80xi32, #tpu.memory_space<vmem>>) target_semaphore(%run_scoped3A_133 : memref<!tpu.dma_semaphore, #tpu.memory_space<semaphore_mem>>)
      %dma_wait3A_150 = arith.constant 0 : i32
      %dma_wait3A_151 = arith.constant 0 : i32
      %dma_wait3A_152 = tpu.memref_slice %arg7[%run_scoped3A_67, %dma_wait3A_150, %dma_wait3A_151] : memref<2x25x80xi32, #tpu.memory_space<vmem>> -> memref<1x25x80xi32, #tpu.memory_space<vmem>>
      %dma_wait3A_153 = tpu.memref_squeeze %dma_wait3A_152 : memref<1x25x80xi32, #tpu.memory_space<vmem>> -> memref<25x80xi32, #tpu.memory_space<vmem>>
      %dma_wait3A_154 = arith.constant 0 : i32
      %dma_wait3A_155 = arith.constant 0 : i32
      %dma_wait3A_156 = tpu.memref_slice %arg3[%add3A, %run_scoped3A, %dma_wait3A_154, %dma_wait3A_155] : memref<32x5x25x80xi32, #tpu.memory_space<hbm>> -> memref<1x1x25x80xi32, #tpu.memory_space<hbm>>
      %dma_wait3A_157 = tpu.memref_squeeze %dma_wait3A_156 : memref<1x1x25x80xi32, #tpu.memory_space<hbm>> -> memref<25x80xi32, #tpu.memory_space<hbm>>
      %dma_wait3A_158 = arith.constant 0 : i32
      %dma_wait3A_159 = arith.constant 0 : i32
      %dma_wait3A_160 = tpu.memref_slice %arg7[%run_scoped3A_67, %dma_wait3A_158, %dma_wait3A_159] : memref<2x25x80xi32, #tpu.memory_space<vmem>> -> memref<1x25x80xi32, #tpu.memory_space<vmem>>
      %dma_wait3A_161 = tpu.memref_squeeze %dma_wait3A_160 : memref<1x25x80xi32, #tpu.memory_space<vmem>> -> memref<25x80xi32, #tpu.memory_space<vmem>>
      %dma_wait3A_162 = arith.constant 0 : i32
      %dma_wait3A_163 = arith.constant 0 : i32
      %dma_wait3A_164 = tpu.memref_slice %arg3[%add3A, %run_scoped3A, %dma_wait3A_162, %dma_wait3A_163] : memref<32x5x25x80xi32, #tpu.memory_space<hbm>> -> memref<1x1x25x80xi32, #tpu.memory_space<hbm>>
      %dma_wait3A_165 = tpu.memref_squeeze %dma_wait3A_164 : memref<1x1x25x80xi32, #tpu.memory_space<hbm>> -> memref<25x80xi32, #tpu.memory_space<hbm>>
      tpu.wait_dma2 semaphore(%run_scoped3A_133 : memref<!tpu.dma_semaphore, #tpu.memory_space<semaphore_mem>>) src(%dma_wait3A_165 : memref<25x80xi32, #tpu.memory_space<hbm>>) dst(%dma_wait3A_161 : memref<25x80xi32, #tpu.memory_space<vmem>>)
      tpu.yield
    }) : () -> ()
    %run_scoped3A_68 = arith.constant 0 : i32
    %run_scoped3A_69 = arith.constant 0 : i32
    "tpu.region"() ({
      %run_scoped3A_133 = tpu.sem_alloc : memref<!tpu.dma_semaphore, #tpu.memory_space<semaphore_mem>>
      %dma_start3A_134 = arith.constant 0 : i32
      %dma_start3A_135 = arith.constant 0 : i32
      %dma_start3A_136 = tpu.memref_slice %arg8[%run_scoped3A_69, %dma_start3A_134, %dma_start3A_135] : memref<2x25x80xi32, #tpu.memory_space<vmem>> -> memref<1x25x80xi32, #tpu.memory_space<vmem>>
      %dma_start3A_137 = tpu.memref_squeeze %dma_start3A_136 : memref<1x25x80xi32, #tpu.memory_space<vmem>> -> memref<25x80xi32, #tpu.memory_space<vmem>>
      %dma_start3A_138 = arith.constant 0 : i32
      %dma_start3A_139 = arith.constant 0 : i32
      %dma_start3A_140 = tpu.memref_slice %arg4[%add3A, %run_scoped3A_68, %dma_start3A_138, %dma_start3A_139] : memref<32x5x25x80xi32, #tpu.memory_space<hbm>> -> memref<1x1x25x80xi32, #tpu.memory_space<hbm>>
      %dma_start3A_141 = tpu.memref_squeeze %dma_start3A_140 : memref<1x1x25x80xi32, #tpu.memory_space<hbm>> -> memref<25x80xi32, #tpu.memory_space<hbm>>
      %dma_start3A_142 = arith.constant 0 : i32
      %dma_start3A_143 = arith.constant 0 : i32
      %dma_start3A_144 = tpu.memref_slice %arg8[%run_scoped3A_69, %dma_start3A_142, %dma_start3A_143] : memref<2x25x80xi32, #tpu.memory_space<vmem>> -> memref<1x25x80xi32, #tpu.memory_space<vmem>>
      %dma_start3A_145 = tpu.memref_squeeze %dma_start3A_144 : memref<1x25x80xi32, #tpu.memory_space<vmem>> -> memref<25x80xi32, #tpu.memory_space<vmem>>
      %dma_start3A_146 = arith.constant 0 : i32
      %dma_start3A_147 = arith.constant 0 : i32
      %dma_start3A_148 = tpu.memref_slice %arg4[%add3A, %run_scoped3A_68, %dma_start3A_146, %dma_start3A_147] : memref<32x5x25x80xi32, #tpu.memory_space<hbm>> -> memref<1x1x25x80xi32, #tpu.memory_space<hbm>>
      %dma_start3A_149 = tpu.memref_squeeze %dma_start3A_148 : memref<1x1x25x80xi32, #tpu.memory_space<hbm>> -> memref<25x80xi32, #tpu.memory_space<hbm>>
      tpu.enqueue_dma source(%dma_start3A_149 : memref<25x80xi32, #tpu.memory_space<hbm>>) target(%dma_start3A_145 : memref<25x80xi32, #tpu.memory_space<vmem>>) target_semaphore(%run_scoped3A_133 : memref<!tpu.dma_semaphore, #tpu.memory_space<semaphore_mem>>)
      %dma_wait3A_150 = arith.constant 0 : i32
      %dma_wait3A_151 = arith.constant 0 : i32
      %dma_wait3A_152 = tpu.memref_slice %arg8[%run_scoped3A_69, %dma_wait3A_150, %dma_wait3A_151] : memref<2x25x80xi32, #tpu.memory_space<vmem>> -> memref<1x25x80xi32, #tpu.memory_space<vmem>>
      %dma_wait3A_153 = tpu.memref_squeeze %dma_wait3A_152 : memref<1x25x80xi32, #tpu.memory_space<vmem>> -> memref<25x80xi32, #tpu.memory_space<vmem>>
      %dma_wait3A_154 = arith.constant 0 : i32
      %dma_wait3A_155 = arith.constant 0 : i32
      %dma_wait3A_156 = tpu.memref_slice %arg4[%add3A, %run_scoped3A_68, %dma_wait3A_154, %dma_wait3A_155] : memref<32x5x25x80xi32, #tpu.memory_space<hbm>> -> memref<1x1x25x80xi32, #tpu.memory_space<hbm>>
      %dma_wait3A_157 = tpu.memref_squeeze %dma_wait3A_156 : memref<1x1x25x80xi32, #tpu.memory_space<hbm>> -> memref<25x80xi32, #tpu.memory_space<hbm>>
      %dma_wait3A_158 = arith.constant 0 : i32
      %dma_wait3A_159 = arith.constant 0 : i32
      %dma_wait3A_160 = tpu.memref_slice %arg8[%run_scoped3A_69, %dma_wait3A_158, %dma_wait3A_159] : memref<2x25x80xi32, #tpu.memory_space<vmem>> -> memref<1x25x80xi32, #tpu.memory_space<vmem>>
      %dma_wait3A_161 = tpu.memref_squeeze %dma_wait3A_160 : memref<1x25x80xi32, #tpu.memory_space<vmem>> -> memref<25x80xi32, #tpu.memory_space<vmem>>
      %dma_wait3A_162 = arith.constant 0 : i32
      %dma_wait3A_163 = arith.constant 0 : i32
      %dma_wait3A_164 = tpu.memref_slice %arg4[%add3A, %run_scoped3A_68, %dma_wait3A_162, %dma_wait3A_163] : memref<32x5x25x80xi32, #tpu.memory_space<hbm>> -> memref<1x1x25x80xi32, #tpu.memory_space<hbm>>
      %dma_wait3A_165 = tpu.memref_squeeze %dma_wait3A_164 : memref<1x1x25x80xi32, #tpu.memory_space<hbm>> -> memref<25x80xi32, #tpu.memory_space<hbm>>
      tpu.wait_dma2 semaphore(%run_scoped3A_133 : memref<!tpu.dma_semaphore, #tpu.memory_space<semaphore_mem>>) src(%dma_wait3A_165 : memref<25x80xi32, #tpu.memory_space<hbm>>) dst(%dma_wait3A_161 : memref<25x80xi32, #tpu.memory_space<vmem>>)
      tpu.yield
    }) : () -> ()
    %barrier3A = arith.constant 0 : index
    tpu.barrier barrier_id(%barrier3A)
    %dma_start3A_70 = arith.constant 0 : i32
    %dma_start3A_71 = arith.constant 0 : i32
    %dma_start3A_72 = arith.constant 0 : i32
    %dma_start3A_73 = arith.constant 0 : i32
    %dma_start3A_74 = arith.constant 0 : i32
    %dma_start3A_75 = arith.constant 0 : i32
    %dma_start3A_76 = tpu.memref_slice %arg9[%dma_start3A_72, %dma_start3A_74, %dma_start3A_75] : memref<2x80x128xf32, #tpu.memory_space<vmem>> -> memref<1x80x128xf32, #tpu.memory_space<vmem>>
    %dma_start3A_77 = tpu.memref_squeeze %dma_start3A_76 : memref<1x80x128xf32, #tpu.memory_space<vmem>> -> memref<80x128xf32, #tpu.memory_space<vmem>>
    %dma_start3A_78 = arith.constant 0 : i32
    %dma_start3A_79 = tpu.memref_slice %arg7[%dma_start3A_70, %dma_start3A_71, %dma_start3A_78] : memref<2x25x80xi32, #tpu.memory_space<vmem>> -> memref<1x1x80xi32, #tpu.memory_space<vmem>>
    %dma_start3A_80 = tpu.memref_squeeze %dma_start3A_79 : memref<1x1x80xi32, #tpu.memory_space<vmem>> -> memref<80xi32, #tpu.memory_space<vmem>>
    %dma_start3A_81 = arith.constant 0 : i32
    %dma_start3A_82 = arith.constant 0 : i32
    %dma_start3A_83 = tpu.memref_slice %arg2[%dma_start3A_81, %dma_start3A_82] : memref<10000x128xf32, #tpu.memory_space<hbm>> -> memref<10000x128xf32, #tpu.memory_space<hbm>>
    %dma_start3A_84 = tpu.memref_slice %arg10[%dma_start3A_73] : memref<2x!tpu.dma_semaphore, #tpu.memory_space<semaphore_mem>> -> memref<1x!tpu.dma_semaphore, #tpu.memory_space<semaphore_mem>>
    %dma_start3A_85 = tpu.memref_squeeze %dma_start3A_84 : memref<1x!tpu.dma_semaphore, #tpu.memory_space<semaphore_mem>> -> memref<!tpu.dma_semaphore, #tpu.memory_space<semaphore_mem>>
    tpu.enqueue_indirect_dma source(%dma_start3A_83 : memref<10000x128xf32, #tpu.memory_space<hbm>>) target(%dma_start3A_77 : memref<80x128xf32, #tpu.memory_space<vmem>>) offsets(%dma_start3A_80 : memref<80xi32, #tpu.memory_space<vmem>>) semaphore(%dma_start3A_85 : memref<!tpu.dma_semaphore, #tpu.memory_space<semaphore_mem>>)
    %scan3A_86 = arith.constant 0 : i32
    %scan3A_87 = arith.constant 0 : i32
    %scan3A_88 = arith.constant 125 : i32
    %scan3A_89 = arith.addi %scan3A_87, %scan3A_88 : i32
    %scan3A_90 = arith.constant 1 : i32
    %scan3A_91 = scf.for %scan3A_133 = %scan3A_87 to %scan3A_89 step %scan3A_90 iter_args(%scan3A_134 = %scan3A_86) -> (i32)  : i32 {
      %rem3A = arith.constant 2 : i32
      %rem3A_135 = arith.remsi %scan3A_133, %rem3A : i32
      %sub3A = arith.constant 1 : i32
      %sub3A_136 = arith.subi %sub3A, %rem3A_135 : i32
      %jit3A = arith.constant 25 : i32
      %div3A = arith.divsi %scan3A_133, %jit3A : i32
      %sign3A = arith.constant 0 : i32
      %sign3A_137 = arith.cmpi sgt, %scan3A_133, %sign3A : i32
      %sign3A_138 = arith.extui %sign3A_137 : i1 to i32
      %sign3A_139 = arith.constant 0 : i32
      %sign3A_140 = arith.cmpi slt, %scan3A_133, %sign3A_139 : i32
      %sign3A_141 = arith.extui %sign3A_140 : i1 to i32
      %sign3A_142 = arith.subi %sign3A_138, %sign3A_141 : i32
      %sign3A_143 = arith.constant 0 : i32
      %sign3A_144 = arith.cmpi sgt, %jit3A, %sign3A_143 : i32
      %sign3A_145 = arith.extui %sign3A_144 : i1 to i32
      %sign3A_146 = arith.constant 0 : i32
      %sign3A_147 = arith.cmpi slt, %jit3A, %sign3A_146 : i32
      %sign3A_148 = arith.extui %sign3A_147 : i1 to i32
      %sign3A_149 = arith.subi %sign3A_145, %sign3A_148 : i32
      %ne3A = arith.cmpi ne, %sign3A_142, %sign3A_149 : i32
      %rem3A_150 = arith.remsi %scan3A_133, %jit3A : i32
      %ne3A_151 = arith.constant 0 : i32
      %ne3A_152 = arith.cmpi ne, %rem3A_150, %ne3A_151 : i32
      %and3A = arith.andi %ne3A, %ne3A_152 : i1
      %sub3A_153 = arith.constant 1 : i32
      %sub3A_154 = arith.subi %div3A, %sub3A_153 : i32
      %select_n3A = arith.select %and3A, %sub3A_154, %div3A : i32
      %mul3A_155 = arith.constant 25 : i32
      %mul3A_156 = arith.muli %select_n3A, %mul3A_155 : i32
      %sub3A_157 = arith.subi %scan3A_133, %mul3A_156 : i32
      %rem3A_158 = arith.constant 2 : i32
      %rem3A_159 = arith.remsi %select_n3A, %rem3A_158 : i32
      %sub3A_160 = arith.constant 1 : i32
      %sub3A_161 = arith.subi %sub3A_160, %rem3A_159 : i32
      %jit3A_162 = arith.constant 25 : i32
      %div3A_163 = arith.divsi %scan3A_133, %jit3A_162 : i32
      %sign3A_164 = arith.constant 0 : i32
      %sign3A_165 = arith.cmpi sgt, %scan3A_133, %sign3A_164 : i32
      %sign3A_166 = arith.extui %sign3A_165 : i1 to i32
      %sign3A_167 = arith.constant 0 : i32
      %sign3A_168 = arith.cmpi slt, %scan3A_133, %sign3A_167 : i32
      %sign3A_169 = arith.extui %sign3A_168 : i1 to i32
      %sign3A_170 = arith.subi %sign3A_166, %sign3A_169 : i32
      %sign3A_171 = arith.constant 0 : i32
      %sign3A_172 = arith.cmpi sgt, %jit3A_162, %sign3A_171 : i32
      %sign3A_173 = arith.extui %sign3A_172 : i1 to i32
      %sign3A_174 = arith.constant 0 : i32
      %sign3A_175 = arith.cmpi slt, %jit3A_162, %sign3A_174 : i32
      %sign3A_176 = arith.extui %sign3A_175 : i1 to i32
      %sign3A_177 = arith.subi %sign3A_173, %sign3A_176 : i32
      %ne3A_178 = arith.cmpi ne, %sign3A_170, %sign3A_177 : i32
      %rem3A_179 = arith.remsi %scan3A_133, %jit3A_162 : i32
      %ne3A_180 = arith.constant 0 : i32
      %ne3A_181 = arith.cmpi ne, %rem3A_179, %ne3A_180 : i32
      %and3A_182 = arith.andi %ne3A_178, %ne3A_181 : i1
      %sub3A_183 = arith.constant 1 : i32
      %sub3A_184 = arith.subi %div3A_163, %sub3A_183 : i32
      %select_n3A_185 = arith.select %and3A_182, %sub3A_184, %div3A_163 : i32
      %rem3A_186 = arith.constant 2 : i32
      %rem3A_187 = arith.remsi %select_n3A_185, %rem3A_186 : i32
      %mul3A_188 = arith.constant 25 : i32
      %mul3A_189 = arith.muli %select_n3A_185, %mul3A_188 : i32
      %sub3A_190 = arith.subi %scan3A_133, %mul3A_189 : i32
      %ge3A = arith.constant 1 : i32
      %ge3A_191 = arith.cmpi sge, %scan3A_133, %ge3A : i32
      %add3A_192 = arith.constant 1 : i32
      %add3A_193 = arith.addi %scan3A_133, %add3A_192 : i32
      %lt3A = arith.constant 125 : i32
      %lt3A_194 = arith.cmpi slt, %add3A_193, %lt3A : i32
      %and3A_195 = arith.andi %ge3A_191, %lt3A_194 : i1
      %convert_element_type3A_196 = arith.extui %and3A_195 : i1 to i32
      %cond3A_197 = arith.constant 0 : i32
      %cond3A_198 = arith.cmpi ne, %convert_element_type3A_196, %cond3A_197 : i32
      scf.if %cond3A_198 {
        %sub3A_253 = arith.constant 1 : i32
        %sub3A_254 = arith.subi %scan3A_133, %sub3A_253 : i32
        %jit3A_255 = arith.constant 25 : i32
        %div3A_256 = arith.divsi %sub3A_254, %jit3A_255 : i32
        %sign3A_257 = arith.constant 0 : i32
        %sign3A_258 = arith.cmpi sgt, %sub3A_254, %sign3A_257 : i32
        %sign3A_259 = arith.extui %sign3A_258 : i1 to i32
        %sign3A_260 = arith.constant 0 : i32
        %sign3A_261 = arith.cmpi slt, %sub3A_254, %sign3A_260 : i32
        %sign3A_262 = arith.extui %sign3A_261 : i1 to i32
        %sign3A_263 = arith.subi %sign3A_259, %sign3A_262 : i32
        %sign3A_264 = arith.constant 0 : i32
        %sign3A_265 = arith.cmpi sgt, %jit3A_255, %sign3A_264 : i32
        %sign3A_266 = arith.extui %sign3A_265 : i1 to i32
        %sign3A_267 = arith.constant 0 : i32
        %sign3A_268 = arith.cmpi slt, %jit3A_255, %sign3A_267 : i32
        %sign3A_269 = arith.extui %sign3A_268 : i1 to i32
        %sign3A_270 = arith.subi %sign3A_266, %sign3A_269 : i32
        %ne3A_271 = arith.cmpi ne, %sign3A_263, %sign3A_270 : i32
        %rem3A_272 = arith.remsi %sub3A_254, %jit3A_255 : i32
        %ne3A_273 = arith.constant 0 : i32
        %ne3A_274 = arith.cmpi ne, %rem3A_272, %ne3A_273 : i32
        %and3A_275 = arith.andi %ne3A_271, %ne3A_274 : i1
        %sub3A_276 = arith.constant 1 : i32
        %sub3A_277 = arith.subi %div3A_256, %sub3A_276 : i32
        %select_n3A_278 = arith.select %and3A_275, %sub3A_277, %div3A_256 : i32
        %rem3A_279 = arith.constant 2 : i32
        %rem3A_280 = arith.remsi %select_n3A_278, %rem3A_279 : i32
        %mul3A_281 = arith.constant 25 : i32
        %mul3A_282 = arith.muli %select_n3A_278, %mul3A_281 : i32
        %sub3A_283 = arith.subi %sub3A_254, %mul3A_282 : i32
        %dma_wait3A_284 = arith.constant 0 : i32
        %dma_wait3A_285 = arith.constant 0 : i32
        %dma_wait3A_286 = tpu.memref_slice %arg9[%sub3A_136, %dma_wait3A_284, %dma_wait3A_285] : memref<2x80x128xf32, #tpu.memory_space<vmem>> -> memref<1x80x128xf32, #tpu.memory_space<vmem>>
        %dma_wait3A_287 = tpu.memref_squeeze %dma_wait3A_286 : memref<1x80x128xf32, #tpu.memory_space<vmem>> -> memref<80x128xf32, #tpu.memory_space<vmem>>
        %dma_wait3A_288 = arith.constant 0 : i32
        %dma_wait3A_289 = tpu.memref_slice %arg8[%rem3A_280, %sub3A_283, %dma_wait3A_288] : memref<2x25x80xi32, #tpu.memory_space<vmem>> -> memref<1x1x80xi32, #tpu.memory_space<vmem>>
        %dma_wait3A_290 = tpu.memref_squeeze %dma_wait3A_289 : memref<1x1x80xi32, #tpu.memory_space<vmem>> -> memref<80xi32, #tpu.memory_space<vmem>>
        %dma_wait3A_291 = arith.constant 0 : i32
        %dma_wait3A_292 = arith.constant 0 : i32
        %dma_wait3A_293 = tpu.memref_slice %arg6[%dma_wait3A_291, %dma_wait3A_292] : memref<10008x128xf32, #tpu.memory_space<vmem_shared>> -> memref<10008x128xf32, #tpu.memory_space<vmem_shared>>
        %dma_wait3A_294 = tpu.memref_slice %arg11[%sub3A_136] : memref<2x!tpu.dma_semaphore, #tpu.memory_space<semaphore_mem>> -> memref<1x!tpu.dma_semaphore, #tpu.memory_space<semaphore_mem>>
        %dma_wait3A_295 = tpu.memref_squeeze %dma_wait3A_294 : memref<1x!tpu.dma_semaphore, #tpu.memory_space<semaphore_mem>> -> memref<!tpu.dma_semaphore, #tpu.memory_space<semaphore_mem>>
        tpu.wait_indirect_dma semaphore(%dma_wait3A_295 : memref<!tpu.dma_semaphore, #tpu.memory_space<semaphore_mem>>) src(%dma_wait3A_287 : memref<80x128xf32, #tpu.memory_space<vmem>>) dst(%dma_wait3A_293 : memref<10008x128xf32, #tpu.memory_space<vmem_shared>>)
      } else {
      }
      %eq3A_199 = arith.constant 0 : i32
      %eq3A_200 = arith.cmpi eq, %sub3A_157, %eq3A_199 : i32
      %add3A_201 = arith.constant 1 : i32
      %add3A_202 = arith.addi %select_n3A, %add3A_201 : i32
      %mul3A_203 = arith.constant 25 : i32
      %mul3A_204 = arith.muli %add3A_202, %mul3A_203 : i32
      %lt3A_205 = arith.constant 125 : i32
      %lt3A_206 = arith.cmpi slt, %mul3A_204, %lt3A_205 : i32
      %and3A_207 = arith.andi %eq3A_200, %lt3A_206 : i1
      %convert_element_type3A_208 = arith.extui %and3A_207 : i1 to i32
      %cond3A_209 = arith.constant 0 : i32
      %cond3A_210 = arith.cmpi ne, %convert_element_type3A_208, %cond3A_209 : i32
      scf.if %cond3A_210 {
        %add3A_253 = arith.constant 1 : i32
        %add3A_254 = arith.addi %select_n3A, %add3A_253 : i32
        %dma_start3A_255 = arith.constant 0 : i32
        %dma_start3A_256 = arith.constant 0 : i32
        %dma_start3A_257 = tpu.memref_slice %arg7[%sub3A_161, %dma_start3A_255, %dma_start3A_256] : memref<2x25x80xi32, #tpu.memory_space<vmem>> -> memref<1x25x80xi32, #tpu.memory_space<vmem>>
        %dma_start3A_258 = tpu.memref_squeeze %dma_start3A_257 : memref<1x25x80xi32, #tpu.memory_space<vmem>> -> memref<25x80xi32, #tpu.memory_space<vmem>>
        %dma_start3A_259 = arith.constant 0 : i32
        %dma_start3A_260 = arith.constant 0 : i32
        %dma_start3A_261 = tpu.memref_slice %arg3[%add3A, %add3A_254, %dma_start3A_259, %dma_start3A_260] : memref<32x5x25x80xi32, #tpu.memory_space<hbm>> -> memref<1x1x25x80xi32, #tpu.memory_space<hbm>>
        %dma_start3A_262 = tpu.memref_squeeze %dma_start3A_261 : memref<1x1x25x80xi32, #tpu.memory_space<hbm>> -> memref<25x80xi32, #tpu.memory_space<hbm>>
        %dma_start3A_263 = tpu.memref_slice %arg12[%sub3A_161] : memref<2x!tpu.dma_semaphore, #tpu.memory_space<semaphore_mem>> -> memref<1x!tpu.dma_semaphore, #tpu.memory_space<semaphore_mem>>
        %dma_start3A_264 = tpu.memref_squeeze %dma_start3A_263 : memref<1x!tpu.dma_semaphore, #tpu.memory_space<semaphore_mem>> -> memref<!tpu.dma_semaphore, #tpu.memory_space<semaphore_mem>>
        %dma_start3A_265 = arith.constant 0 : i32
        %dma_start3A_266 = arith.constant 0 : i32
        %dma_start3A_267 = tpu.memref_slice %arg7[%sub3A_161, %dma_start3A_265, %dma_start3A_266] : memref<2x25x80xi32, #tpu.memory_space<vmem>> -> memref<1x25x80xi32, #tpu.memory_space<vmem>>
        %dma_start3A_268 = tpu.memref_squeeze %dma_start3A_267 : memref<1x25x80xi32, #tpu.memory_space<vmem>> -> memref<25x80xi32, #tpu.memory_space<vmem>>
        %dma_start3A_269 = arith.constant 0 : i32
        %dma_start3A_270 = arith.constant 0 : i32
        %dma_start3A_271 = tpu.memref_slice %arg3[%add3A, %add3A_254, %dma_start3A_269, %dma_start3A_270] : memref<32x5x25x80xi32, #tpu.memory_space<hbm>> -> memref<1x1x25x80xi32, #tpu.memory_space<hbm>>
        %dma_start3A_272 = tpu.memref_squeeze %dma_start3A_271 : memref<1x1x25x80xi32, #tpu.memory_space<hbm>> -> memref<25x80xi32, #tpu.memory_space<hbm>>
        tpu.enqueue_dma source(%dma_start3A_272 : memref<25x80xi32, #tpu.memory_space<hbm>>) target(%dma_start3A_268 : memref<25x80xi32, #tpu.memory_space<vmem>>) target_semaphore(%dma_start3A_264 : memref<!tpu.dma_semaphore, #tpu.memory_space<semaphore_mem>>)
        %add3A_273 = arith.constant 1 : i32
        %add3A_274 = arith.addi %select_n3A, %add3A_273 : i32
        %dma_start3A_275 = arith.constant 0 : i32
        %dma_start3A_276 = arith.constant 0 : i32
        %dma_start3A_277 = tpu.memref_slice %arg8[%sub3A_161, %dma_start3A_275, %dma_start3A_276] : memref<2x25x80xi32, #tpu.memory_space<vmem>> -> memref<1x25x80xi32, #tpu.memory_space<vmem>>
        %dma_start3A_278 = tpu.memref_squeeze %dma_start3A_277 : memref<1x25x80xi32, #tpu.memory_space<vmem>> -> memref<25x80xi32, #tpu.memory_space<vmem>>
        %dma_start3A_279 = arith.constant 0 : i32
        %dma_start3A_280 = arith.constant 0 : i32
        %dma_start3A_281 = tpu.memref_slice %arg4[%add3A, %add3A_274, %dma_start3A_279, %dma_start3A_280] : memref<32x5x25x80xi32, #tpu.memory_space<hbm>> -> memref<1x1x25x80xi32, #tpu.memory_space<hbm>>
        %dma_start3A_282 = tpu.memref_squeeze %dma_start3A_281 : memref<1x1x25x80xi32, #tpu.memory_space<hbm>> -> memref<25x80xi32, #tpu.memory_space<hbm>>
        %dma_start3A_283 = tpu.memref_slice %arg12[%sub3A_161] : memref<2x!tpu.dma_semaphore, #tpu.memory_space<semaphore_mem>> -> memref<1x!tpu.dma_semaphore, #tpu.memory_space<semaphore_mem>>
        %dma_start3A_284 = tpu.memref_squeeze %dma_start3A_283 : memref<1x!tpu.dma_semaphore, #tpu.memory_space<semaphore_mem>> -> memref<!tpu.dma_semaphore, #tpu.memory_space<semaphore_mem>>
        %dma_start3A_285 = arith.constant 0 : i32
        %dma_start3A_286 = arith.constant 0 : i32
        %dma_start3A_287 = tpu.memref_slice %arg8[%sub3A_161, %dma_start3A_285, %dma_start3A_286] : memref<2x25x80xi32, #tpu.memory_space<vmem>> -> memref<1x25x80xi32, #tpu.memory_space<vmem>>
        %dma_start3A_288 = tpu.memref_squeeze %dma_start3A_287 : memref<1x25x80xi32, #tpu.memory_space<vmem>> -> memref<25x80xi32, #tpu.memory_space<vmem>>
        %dma_start3A_289 = arith.constant 0 : i32
        %dma_start3A_290 = arith.constant 0 : i32
        %dma_start3A_291 = tpu.memref_slice %arg4[%add3A, %add3A_274, %dma_start3A_289, %dma_start3A_290] : memref<32x5x25x80xi32, #tpu.memory_space<hbm>> -> memref<1x1x25x80xi32, #tpu.memory_space<hbm>>
        %dma_start3A_292 = tpu.memref_squeeze %dma_start3A_291 : memref<1x1x25x80xi32, #tpu.memory_space<hbm>> -> memref<25x80xi32, #tpu.memory_space<hbm>>
        tpu.enqueue_dma source(%dma_start3A_292 : memref<25x80xi32, #tpu.memory_space<hbm>>) target(%dma_start3A_288 : memref<25x80xi32, #tpu.memory_space<vmem>>) target_semaphore(%dma_start3A_284 : memref<!tpu.dma_semaphore, #tpu.memory_space<semaphore_mem>>)
      } else {
      }
      %eq3A_211 = arith.constant 24 : i32
      %eq3A_212 = arith.cmpi eq, %sub3A_157, %eq3A_211 : i32
      %add3A_213 = arith.constant 1 : i32
      %add3A_214 = arith.addi %scan3A_133, %add3A_213 : i32
      %lt3A_215 = arith.constant 125 : i32
      %lt3A_216 = arith.cmpi slt, %add3A_214, %lt3A_215 : i32
      %and3A_217 = arith.andi %eq3A_212, %lt3A_216 : i1
      %convert_element_type3A_218 = arith.extui %and3A_217 : i1 to i32
      %cond3A_219 = arith.constant 0 : i32
      %cond3A_220 = arith.cmpi ne, %convert_element_type3A_218, %cond3A_219 : i32
      scf.if %cond3A_220 {
        %add3A_253 = arith.constant 1 : i32
        %add3A_254 = arith.addi %select_n3A, %add3A_253 : i32
        %dma_wait3A_255 = arith.constant 0 : i32
        %dma_wait3A_256 = arith.constant 0 : i32
        %dma_wait3A_257 = tpu.memref_slice %arg7[%sub3A_161, %dma_wait3A_255, %dma_wait3A_256] : memref<2x25x80xi32, #tpu.memory_space<vmem>> -> memref<1x25x80xi32, #tpu.memory_space<vmem>>
        %dma_wait3A_258 = tpu.memref_squeeze %dma_wait3A_257 : memref<1x25x80xi32, #tpu.memory_space<vmem>> -> memref<25x80xi32, #tpu.memory_space<vmem>>
        %dma_wait3A_259 = arith.constant 0 : i32
        %dma_wait3A_260 = arith.constant 0 : i32
        %dma_wait3A_261 = tpu.memref_slice %arg3[%add3A, %add3A_254, %dma_wait3A_259, %dma_wait3A_260] : memref<32x5x25x80xi32, #tpu.memory_space<hbm>> -> memref<1x1x25x80xi32, #tpu.memory_space<hbm>>
        %dma_wait3A_262 = tpu.memref_squeeze %dma_wait3A_261 : memref<1x1x25x80xi32, #tpu.memory_space<hbm>> -> memref<25x80xi32, #tpu.memory_space<hbm>>
        %dma_wait3A_263 = tpu.memref_slice %arg12[%sub3A_161] : memref<2x!tpu.dma_semaphore, #tpu.memory_space<semaphore_mem>> -> memref<1x!tpu.dma_semaphore, #tpu.memory_space<semaphore_mem>>
        %dma_wait3A_264 = tpu.memref_squeeze %dma_wait3A_263 : memref<1x!tpu.dma_semaphore, #tpu.memory_space<semaphore_mem>> -> memref<!tpu.dma_semaphore, #tpu.memory_space<semaphore_mem>>
        %dma_wait3A_265 = arith.constant 0 : i32
        %dma_wait3A_266 = arith.constant 0 : i32
        %dma_wait3A_267 = tpu.memref_slice %arg7[%sub3A_161, %dma_wait3A_265, %dma_wait3A_266] : memref<2x25x80xi32, #tpu.memory_space<vmem>> -> memref<1x25x80xi32, #tpu.memory_space<vmem>>
        %dma_wait3A_268 = tpu.memref_squeeze %dma_wait3A_267 : memref<1x25x80xi32, #tpu.memory_space<vmem>> -> memref<25x80xi32, #tpu.memory_space<vmem>>
        %dma_wait3A_269 = arith.constant 0 : i32
        %dma_wait3A_270 = arith.constant 0 : i32
        %dma_wait3A_271 = tpu.memref_slice %arg3[%add3A, %add3A_254, %dma_wait3A_269, %dma_wait3A_270] : memref<32x5x25x80xi32, #tpu.memory_space<hbm>> -> memref<1x1x25x80xi32, #tpu.memory_space<hbm>>
        %dma_wait3A_272 = tpu.memref_squeeze %dma_wait3A_271 : memref<1x1x25x80xi32, #tpu.memory_space<hbm>> -> memref<25x80xi32, #tpu.memory_space<hbm>>
        tpu.wait_dma2 semaphore(%dma_wait3A_264 : memref<!tpu.dma_semaphore, #tpu.memory_space<semaphore_mem>>) src(%dma_wait3A_272 : memref<25x80xi32, #tpu.memory_space<hbm>>) dst(%dma_wait3A_268 : memref<25x80xi32, #tpu.memory_space<vmem>>)
        %add3A_273 = arith.constant 1 : i32
        %add3A_274 = arith.addi %select_n3A, %add3A_273 : i32
        %dma_wait3A_275 = arith.constant 0 : i32
        %dma_wait3A_276 = arith.constant 0 : i32
        %dma_wait3A_277 = tpu.memref_slice %arg8[%sub3A_161, %dma_wait3A_275, %dma_wait3A_276] : memref<2x25x80xi32, #tpu.memory_space<vmem>> -> memref<1x25x80xi32, #tpu.memory_space<vmem>>
        %dma_wait3A_278 = tpu.memref_squeeze %dma_wait3A_277 : memref<1x25x80xi32, #tpu.memory_space<vmem>> -> memref<25x80xi32, #tpu.memory_space<vmem>>
        %dma_wait3A_279 = arith.constant 0 : i32
        %dma_wait3A_280 = arith.constant 0 : i32
        %dma_wait3A_281 = tpu.memref_slice %arg4[%add3A, %add3A_274, %dma_wait3A_279, %dma_wait3A_280] : memref<32x5x25x80xi32, #tpu.memory_space<hbm>> -> memref<1x1x25x80xi32, #tpu.memory_space<hbm>>
        %dma_wait3A_282 = tpu.memref_squeeze %dma_wait3A_281 : memref<1x1x25x80xi32, #tpu.memory_space<hbm>> -> memref<25x80xi32, #tpu.memory_space<hbm>>
        %dma_wait3A_283 = tpu.memref_slice %arg12[%sub3A_161] : memref<2x!tpu.dma_semaphore, #tpu.memory_space<semaphore_mem>> -> memref<1x!tpu.dma_semaphore, #tpu.memory_space<semaphore_mem>>
        %dma_wait3A_284 = tpu.memref_squeeze %dma_wait3A_283 : memref<1x!tpu.dma_semaphore, #tpu.memory_space<semaphore_mem>> -> memref<!tpu.dma_semaphore, #tpu.memory_space<semaphore_mem>>
        %dma_wait3A_285 = arith.constant 0 : i32
        %dma_wait3A_286 = arith.constant 0 : i32
        %dma_wait3A_287 = tpu.memref_slice %arg8[%sub3A_161, %dma_wait3A_285, %dma_wait3A_286] : memref<2x25x80xi32, #tpu.memory_space<vmem>> -> memref<1x25x80xi32, #tpu.memory_space<vmem>>
        %dma_wait3A_288 = tpu.memref_squeeze %dma_wait3A_287 : memref<1x25x80xi32, #tpu.memory_space<vmem>> -> memref<25x80xi32, #tpu.memory_space<vmem>>
        %dma_wait3A_289 = arith.constant 0 : i32
        %dma_wait3A_290 = arith.constant 0 : i32
        %dma_wait3A_291 = tpu.memref_slice %arg4[%add3A, %add3A_274, %dma_wait3A_289, %dma_wait3A_290] : memref<32x5x25x80xi32, #tpu.memory_space<hbm>> -> memref<1x1x25x80xi32, #tpu.memory_space<hbm>>
        %dma_wait3A_292 = tpu.memref_squeeze %dma_wait3A_291 : memref<1x1x25x80xi32, #tpu.memory_space<hbm>> -> memref<25x80xi32, #tpu.memory_space<hbm>>
        tpu.wait_dma2 semaphore(%dma_wait3A_284 : memref<!tpu.dma_semaphore, #tpu.memory_space<semaphore_mem>>) src(%dma_wait3A_292 : memref<25x80xi32, #tpu.memory_space<hbm>>) dst(%dma_wait3A_288 : memref<25x80xi32, #tpu.memory_space<vmem>>)
      } else {
      }
      %add3A_221 = arith.constant 1 : i32
      %add3A_222 = arith.addi %scan3A_133, %add3A_221 : i32
      %lt3A_223 = arith.constant 125 : i32
      %lt3A_224 = arith.cmpi slt, %add3A_222, %lt3A_223 : i32
      %convert_element_type3A_225 = arith.extui %lt3A_224 : i1 to i32
      %cond3A_226 = arith.constant 0 : i32
      %cond3A_227 = arith.cmpi ne, %convert_element_type3A_225, %cond3A_226 : i32
      scf.if %cond3A_227 {
        %add3A_253 = arith.constant 1 : i32
        %add3A_254 = arith.addi %scan3A_133, %add3A_253 : i32
        %jit3A_255 = arith.constant 25 : i32
        %div3A_256 = arith.divsi %add3A_254, %jit3A_255 : i32
        %sign3A_257 = arith.constant 0 : i32
        %sign3A_258 = arith.cmpi sgt, %add3A_254, %sign3A_257 : i32
        %sign3A_259 = arith.extui %sign3A_258 : i1 to i32
        %sign3A_260 = arith.constant 0 : i32
        %sign3A_261 = arith.cmpi slt, %add3A_254, %sign3A_260 : i32
        %sign3A_262 = arith.extui %sign3A_261 : i1 to i32
        %sign3A_263 = arith.subi %sign3A_259, %sign3A_262 : i32
        %sign3A_264 = arith.constant 0 : i32
        %sign3A_265 = arith.cmpi sgt, %jit3A_255, %sign3A_264 : i32
        %sign3A_266 = arith.extui %sign3A_265 : i1 to i32
        %sign3A_267 = arith.constant 0 : i32
        %sign3A_268 = arith.cmpi slt, %jit3A_255, %sign3A_267 : i32
        %sign3A_269 = arith.extui %sign3A_268 : i1 to i32
        %sign3A_270 = arith.subi %sign3A_266, %sign3A_269 : i32
        %ne3A_271 = arith.cmpi ne, %sign3A_263, %sign3A_270 : i32
        %rem3A_272 = arith.remsi %add3A_254, %jit3A_255 : i32
        %ne3A_273 = arith.constant 0 : i32
        %ne3A_274 = arith.cmpi ne, %rem3A_272, %ne3A_273 : i32
        %and3A_275 = arith.andi %ne3A_271, %ne3A_274 : i1
        %sub3A_276 = arith.constant 1 : i32
        %sub3A_277 = arith.subi %div3A_256, %sub3A_276 : i32
        %select_n3A_278 = arith.select %and3A_275, %sub3A_277, %div3A_256 : i32
        %rem3A_279 = arith.constant 2 : i32
        %rem3A_280 = arith.remsi %select_n3A_278, %rem3A_279 : i32
        %mul3A_281 = arith.constant 25 : i32
        %mul3A_282 = arith.muli %select_n3A_278, %mul3A_281 : i32
        %sub3A_283 = arith.subi %add3A_254, %mul3A_282 : i32
        %dma_start3A_284 = arith.constant 0 : i32
        %dma_start3A_285 = arith.constant 0 : i32
        %dma_start3A_286 = tpu.memref_slice %arg9[%sub3A_136, %dma_start3A_284, %dma_start3A_285] : memref<2x80x128xf32, #tpu.memory_space<vmem>> -> memref<1x80x128xf32, #tpu.memory_space<vmem>>
        %dma_start3A_287 = tpu.memref_squeeze %dma_start3A_286 : memref<1x80x128xf32, #tpu.memory_space<vmem>> -> memref<80x128xf32, #tpu.memory_space<vmem>>
        %dma_start3A_288 = arith.constant 0 : i32
        %dma_start3A_289 = tpu.memref_slice %arg7[%rem3A_280, %sub3A_283, %dma_start3A_288] : memref<2x25x80xi32, #tpu.memory_space<vmem>> -> memref<1x1x80xi32, #tpu.memory_space<vmem>>
        %dma_start3A_290 = tpu.memref_squeeze %dma_start3A_289 : memref<1x1x80xi32, #tpu.memory_space<vmem>> -> memref<80xi32, #tpu.memory_space<vmem>>
        %dma_start3A_291 = arith.constant 0 : i32
        %dma_start3A_292 = arith.constant 0 : i32
        %dma_start3A_293 = tpu.memref_slice %arg2[%dma_start3A_291, %dma_start3A_292] : memref<10000x128xf32, #tpu.memory_space<hbm>> -> memref<10000x128xf32, #tpu.memory_space<hbm>>
        %dma_start3A_294 = tpu.memref_slice %arg10[%sub3A_136] : memref<2x!tpu.dma_semaphore, #tpu.memory_space<semaphore_mem>> -> memref<1x!tpu.dma_semaphore, #tpu.memory_space<semaphore_mem>>
        %dma_start3A_295 = tpu.memref_squeeze %dma_start3A_294 : memref<1x!tpu.dma_semaphore, #tpu.memory_space<semaphore_mem>> -> memref<!tpu.dma_semaphore, #tpu.memory_space<semaphore_mem>>
        tpu.enqueue_indirect_dma source(%dma_start3A_293 : memref<10000x128xf32, #tpu.memory_space<hbm>>) target(%dma_start3A_287 : memref<80x128xf32, #tpu.memory_space<vmem>>) offsets(%dma_start3A_290 : memref<80xi32, #tpu.memory_space<vmem>>) semaphore(%dma_start3A_295 : memref<!tpu.dma_semaphore, #tpu.memory_space<semaphore_mem>>)
      } else {
      }
      %dma_wait3A_228 = arith.constant 0 : i32
      %dma_wait3A_229 = arith.constant 0 : i32
      %dma_wait3A_230 = tpu.memref_slice %arg9[%rem3A_135, %dma_wait3A_228, %dma_wait3A_229] : memref<2x80x128xf32, #tpu.memory_space<vmem>> -> memref<1x80x128xf32, #tpu.memory_space<vmem>>
      %dma_wait3A_231 = tpu.memref_squeeze %dma_wait3A_230 : memref<1x80x128xf32, #tpu.memory_space<vmem>> -> memref<80x128xf32, #tpu.memory_space<vmem>>
      %dma_wait3A_232 = arith.constant 0 : i32
      %dma_wait3A_233 = tpu.memref_slice %arg7[%rem3A_187, %sub3A_190, %dma_wait3A_232] : memref<2x25x80xi32, #tpu.memory_space<vmem>> -> memref<1x1x80xi32, #tpu.memory_space<vmem>>
      %dma_wait3A_234 = tpu.memref_squeeze %dma_wait3A_233 : memref<1x1x80xi32, #tpu.memory_space<vmem>> -> memref<80xi32, #tpu.memory_space<vmem>>
      %dma_wait3A_235 = arith.constant 0 : i32
      %dma_wait3A_236 = arith.constant 0 : i32
      %dma_wait3A_237 = tpu.memref_slice %arg2[%dma_wait3A_235, %dma_wait3A_236] : memref<10000x128xf32, #tpu.memory_space<hbm>> -> memref<10000x128xf32, #tpu.memory_space<hbm>>
      %dma_wait3A_238 = tpu.memref_slice %arg10[%rem3A_135] : memref<2x!tpu.dma_semaphore, #tpu.memory_space<semaphore_mem>> -> memref<1x!tpu.dma_semaphore, #tpu.memory_space<semaphore_mem>>
      %dma_wait3A_239 = tpu.memref_squeeze %dma_wait3A_238 : memref<1x!tpu.dma_semaphore, #tpu.memory_space<semaphore_mem>> -> memref<!tpu.dma_semaphore, #tpu.memory_space<semaphore_mem>>
      tpu.wait_indirect_dma semaphore(%dma_wait3A_239 : memref<!tpu.dma_semaphore, #tpu.memory_space<semaphore_mem>>) src(%dma_wait3A_237 : memref<10000x128xf32, #tpu.memory_space<hbm>>) dst(%dma_wait3A_231 : memref<80x128xf32, #tpu.memory_space<vmem>>)
      %dma_start3A_240 = arith.constant 0 : i32
      %dma_start3A_241 = arith.constant 0 : i32
      %dma_start3A_242 = tpu.memref_slice %arg9[%rem3A_135, %dma_start3A_240, %dma_start3A_241] : memref<2x80x128xf32, #tpu.memory_space<vmem>> -> memref<1x80x128xf32, #tpu.memory_space<vmem>>
      %dma_start3A_243 = tpu.memref_squeeze %dma_start3A_242 : memref<1x80x128xf32, #tpu.memory_space<vmem>> -> memref<80x128xf32, #tpu.memory_space<vmem>>
      %dma_start3A_244 = arith.constant 0 : i32
      %dma_start3A_245 = tpu.memref_slice %arg8[%rem3A_187, %sub3A_190, %dma_start3A_244] : memref<2x25x80xi32, #tpu.memory_space<vmem>> -> memref<1x1x80xi32, #tpu.memory_space<vmem>>
      %dma_start3A_246 = tpu.memref_squeeze %dma_start3A_245 : memref<1x1x80xi32, #tpu.memory_space<vmem>> -> memref<80xi32, #tpu.memory_space<vmem>>
      %dma_start3A_247 = arith.constant 0 : i32
      %dma_start3A_248 = arith.constant 0 : i32
      %dma_start3A_249 = tpu.memref_slice %arg6[%dma_start3A_247, %dma_start3A_248] : memref<10008x128xf32, #tpu.memory_space<vmem_shared>> -> memref<10008x128xf32, #tpu.memory_space<vmem_shared>>
      %dma_start3A_250 = tpu.memref_slice %arg11[%rem3A_135] : memref<2x!tpu.dma_semaphore, #tpu.memory_space<semaphore_mem>> -> memref<1x!tpu.dma_semaphore, #tpu.memory_space<semaphore_mem>>
      %dma_start3A_251 = tpu.memref_squeeze %dma_start3A_250 : memref<1x!tpu.dma_semaphore, #tpu.memory_space<semaphore_mem>> -> memref<!tpu.dma_semaphore, #tpu.memory_space<semaphore_mem>>
      tpu.enqueue_indirect_dma source(%dma_start3A_243 : memref<80x128xf32, #tpu.memory_space<vmem>>) target(%dma_start3A_249 : memref<10008x128xf32, #tpu.memory_space<vmem_shared>>) offsets(%dma_start3A_246 : memref<80xi32, #tpu.memory_space<vmem>>) semaphore(%dma_start3A_251 : memref<!tpu.dma_semaphore, #tpu.memory_space<semaphore_mem>>) {add = true}
      %scan3A_252 = arith.constant 0 : i32
      scf.yield %scan3A_252 : i32
    }
    %scan3A_92 = arith.constant 125 : i32
    %dma_wait3A_93 = arith.constant 1 : i32
    %dma_wait3A_94 = arith.constant 0 : i32
    %dma_wait3A_95 = arith.constant 23 : i32
    %dma_wait3A_96 = arith.constant 1 : i32
    %dma_wait3A_97 = arith.constant 0 : i32
    %dma_wait3A_98 = arith.constant 0 : i32
    %dma_wait3A_99 = tpu.memref_slice %arg9[%dma_wait3A_93, %dma_wait3A_97, %dma_wait3A_98] : memref<2x80x128xf32, #tpu.memory_space<vmem>> -> memref<1x80x128xf32, #tpu.memory_space<vmem>>
    %dma_wait3A_100 = tpu.memref_squeeze %dma_wait3A_99 : memref<1x80x128xf32, #tpu.memory_space<vmem>> -> memref<80x128xf32, #tpu.memory_space<vmem>>
    %dma_wait3A_101 = arith.constant 0 : i32
    %dma_wait3A_102 = tpu.memref_slice %arg8[%dma_wait3A_94, %dma_wait3A_95, %dma_wait3A_101] : memref<2x25x80xi32, #tpu.memory_space<vmem>> -> memref<1x1x80xi32, #tpu.memory_space<vmem>>
    %dma_wait3A_103 = tpu.memref_squeeze %dma_wait3A_102 : memref<1x1x80xi32, #tpu.memory_space<vmem>> -> memref<80xi32, #tpu.memory_space<vmem>>
    %dma_wait3A_104 = arith.constant 0 : i32
    %dma_wait3A_105 = arith.constant 0 : i32
    %dma_wait3A_106 = tpu.memref_slice %arg6[%dma_wait3A_104, %dma_wait3A_105] : memref<10008x128xf32, #tpu.memory_space<vmem_shared>> -> memref<10008x128xf32, #tpu.memory_space<vmem_shared>>
    %dma_wait3A_107 = tpu.memref_slice %arg11[%dma_wait3A_96] : memref<2x!tpu.dma_semaphore, #tpu.memory_space<semaphore_mem>> -> memref<1x!tpu.dma_semaphore, #tpu.memory_space<semaphore_mem>>
    %dma_wait3A_108 = tpu.memref_squeeze %dma_wait3A_107 : memref<1x!tpu.dma_semaphore, #tpu.memory_space<semaphore_mem>> -> memref<!tpu.dma_semaphore, #tpu.memory_space<semaphore_mem>>
    tpu.wait_indirect_dma semaphore(%dma_wait3A_108 : memref<!tpu.dma_semaphore, #tpu.memory_space<semaphore_mem>>) src(%dma_wait3A_100 : memref<80x128xf32, #tpu.memory_space<vmem>>) dst(%dma_wait3A_106 : memref<10008x128xf32, #tpu.memory_space<vmem_shared>>)
    %dma_wait3A_109 = arith.constant 0 : i32
    %dma_wait3A_110 = arith.constant 0 : i32
    %dma_wait3A_111 = arith.constant 24 : i32
    %dma_wait3A_112 = arith.constant 0 : i32
    %dma_wait3A_113 = arith.constant 0 : i32
    %dma_wait3A_114 = arith.constant 0 : i32
    %dma_wait3A_115 = tpu.memref_slice %arg9[%dma_wait3A_109, %dma_wait3A_113, %dma_wait3A_114] : memref<2x80x128xf32, #tpu.memory_space<vmem>> -> memref<1x80x128xf32, #tpu.memory_space<vmem>>
    %dma_wait3A_116 = tpu.memref_squeeze %dma_wait3A_115 : memref<1x80x128xf32, #tpu.memory_space<vmem>> -> memref<80x128xf32, #tpu.memory_space<vmem>>
    %dma_wait3A_117 = arith.constant 0 : i32
    %dma_wait3A_118 = tpu.memref_slice %arg8[%dma_wait3A_110, %dma_wait3A_111, %dma_wait3A_117] : memref<2x25x80xi32, #tpu.memory_space<vmem>> -> memref<1x1x80xi32, #tpu.memory_space<vmem>>
    %dma_wait3A_119 = tpu.memref_squeeze %dma_wait3A_118 : memref<1x1x80xi32, #tpu.memory_space<vmem>> -> memref<80xi32, #tpu.memory_space<vmem>>
    %dma_wait3A_120 = arith.constant 0 : i32
    %dma_wait3A_121 = arith.constant 0 : i32
    %dma_wait3A_122 = tpu.memref_slice %arg6[%dma_wait3A_120, %dma_wait3A_121] : memref<10008x128xf32, #tpu.memory_space<vmem_shared>> -> memref<10008x128xf32, #tpu.memory_space<vmem_shared>>
    %dma_wait3A_123 = tpu.memref_slice %arg11[%dma_wait3A_112] : memref<2x!tpu.dma_semaphore, #tpu.memory_space<semaphore_mem>> -> memref<1x!tpu.dma_semaphore, #tpu.memory_space<semaphore_mem>>
    %dma_wait3A_124 = tpu.memref_squeeze %dma_wait3A_123 : memref<1x!tpu.dma_semaphore, #tpu.memory_space<semaphore_mem>> -> memref<!tpu.dma_semaphore, #tpu.memory_space<semaphore_mem>>
    tpu.wait_indirect_dma semaphore(%dma_wait3A_124 : memref<!tpu.dma_semaphore, #tpu.memory_space<semaphore_mem>>) src(%dma_wait3A_116 : memref<80x128xf32, #tpu.memory_space<vmem>>) dst(%dma_wait3A_122 : memref<10008x128xf32, #tpu.memory_space<vmem_shared>>)
    %barrier3A_125 = arith.constant 0 : index
    tpu.barrier barrier_id(%barrier3A_125)
    %mul3A_126 = arith.constant 624 : i32
    %mul3A_127 = arith.muli %arg1, %mul3A_126 : i32
    "tpu.region"() ({
      %run_scoped3A_133 = tpu.sem_alloc : memref<!tpu.dma_semaphore, #tpu.memory_space<semaphore_mem>>
      %dma_start3A_134 = arith.constant 0 : i32
      %dma_start3A_135 = tpu.memref_slice %arg5[%arg0, %mul3A_127, %dma_start3A_134] : memref<2x10000x128xf32, #tpu.memory_space<hbm>> -> memref<1x624x128xf32, #tpu.memory_space<hbm>>
      %dma_start3A_136 = tpu.memref_squeeze %dma_start3A_135 : memref<1x624x128xf32, #tpu.memory_space<hbm>> -> memref<624x128xf32, #tpu.memory_space<hbm>>
      %dma_start3A_137 = arith.constant 0 : i32
      %dma_start3A_138 = tpu.memref_slice %arg6[%mul3A_127, %dma_start3A_137] : memref<10008x128xf32, #tpu.memory_space<vmem_shared>> -> memref<624x128xf32, #tpu.memory_space<vmem_shared>>
      tpu.enqueue_dma source(%dma_start3A_138 : memref<624x128xf32, #tpu.memory_space<vmem_shared>>) target(%dma_start3A_136 : memref<624x128xf32, #tpu.memory_space<hbm>>) target_semaphore(%run_scoped3A_133 : memref<!tpu.dma_semaphore, #tpu.memory_space<semaphore_mem>>)
      %dma_wait3A_139 = arith.constant 0 : i32
      %dma_wait3A_140 = tpu.memref_slice %arg5[%arg0, %mul3A_127, %dma_wait3A_139] : memref<2x10000x128xf32, #tpu.memory_space<hbm>> -> memref<1x624x128xf32, #tpu.memory_space<hbm>>
      %dma_wait3A_141 = tpu.memref_squeeze %dma_wait3A_140 : memref<1x624x128xf32, #tpu.memory_space<hbm>> -> memref<624x128xf32, #tpu.memory_space<hbm>>
      %dma_wait3A_142 = arith.constant 0 : i32
      %dma_wait3A_143 = tpu.memref_slice %arg6[%mul3A_127, %dma_wait3A_142] : memref<10008x128xf32, #tpu.memory_space<vmem_shared>> -> memref<624x128xf32, #tpu.memory_space<vmem_shared>>
      tpu.wait_dma2 semaphore(%run_scoped3A_133 : memref<!tpu.dma_semaphore, #tpu.memory_space<semaphore_mem>>) src(%dma_wait3A_143 : memref<624x128xf32, #tpu.memory_space<vmem_shared>>) dst(%dma_wait3A_141 : memref<624x128xf32, #tpu.memory_space<hbm>>)
      tpu.yield
    }) : () -> ()
    %eq3A_128 = arith.constant 15 : i32
    %eq3A_129 = arith.cmpi eq, %arg1, %eq3A_128 : i32
    %convert_element_type3A_130 = arith.extui %eq3A_129 : i1 to i32
    %cond3A_131 = arith.constant 0 : i32
    %cond3A_132 = arith.cmpi ne, %convert_element_type3A_130, %cond3A_131 : i32
    scf.if %cond3A_132 {
      "tpu.region"() ({
        %run_scoped3A_133 = tpu.sem_alloc : memref<!tpu.dma_semaphore, #tpu.memory_space<semaphore_mem>>
        %dma_start3A_134 = arith.constant 9984 : i32
        %dma_start3A_135 = arith.constant 0 : i32
        %dma_start3A_136 = tpu.memref_slice %arg5[%arg0, %dma_start3A_134, %dma_start3A_135] : memref<2x10000x128xf32, #tpu.memory_space<hbm>> -> memref<1x16x128xf32, #tpu.memory_space<hbm>>
        %dma_start3A_137 = tpu.memref_squeeze %dma_start3A_136 : memref<1x16x128xf32, #tpu.memory_space<hbm>> -> memref<16x128xf32, #tpu.memory_space<hbm>>
        %dma_start3A_138 = arith.constant 9984 : i32
        %dma_start3A_139 = arith.constant 0 : i32
        %dma_start3A_140 = tpu.memref_slice %arg6[%dma_start3A_138, %dma_start3A_139] : memref<10008x128xf32, #tpu.memory_space<vmem_shared>> -> memref<16x128xf32, #tpu.memory_space<vmem_shared>>
        tpu.enqueue_dma source(%dma_start3A_140 : memref<16x128xf32, #tpu.memory_space<vmem_shared>>) target(%dma_start3A_137 : memref<16x128xf32, #tpu.memory_space<hbm>>) target_semaphore(%run_scoped3A_133 : memref<!tpu.dma_semaphore, #tpu.memory_space<semaphore_mem>>)
        %dma_wait3A_141 = arith.constant 9984 : i32
        %dma_wait3A_142 = arith.constant 0 : i32
        %dma_wait3A_143 = tpu.memref_slice %arg5[%arg0, %dma_wait3A_141, %dma_wait3A_142] : memref<2x10000x128xf32, #tpu.memory_space<hbm>> -> memref<1x16x128xf32, #tpu.memory_space<hbm>>
        %dma_wait3A_144 = tpu.memref_squeeze %dma_wait3A_143 : memref<1x16x128xf32, #tpu.memory_space<hbm>> -> memref<16x128xf32, #tpu.memory_space<hbm>>
        %dma_wait3A_145 = arith.constant 9984 : i32
        %dma_wait3A_146 = arith.constant 0 : i32
        %dma_wait3A_147 = tpu.memref_slice %arg6[%dma_wait3A_145, %dma_wait3A_146] : memref<10008x128xf32, #tpu.memory_space<vmem_shared>> -> memref<16x128xf32, #tpu.memory_space<vmem_shared>>
        tpu.wait_dma2 semaphore(%run_scoped3A_133 : memref<!tpu.dma_semaphore, #tpu.memory_space<semaphore_mem>>) src(%dma_wait3A_147 : memref<16x128xf32, #tpu.memory_space<vmem_shared>>) dst(%dma_wait3A_144 : memref<16x128xf32, #tpu.memory_space<hbm>>)
        tpu.yield
      }) : () -> ()
    } else {
    }
    return
  }
}

#map = affine_map<(d0, d1) -> (0, 0)>
#map1 = affine_map<(d0, d1) -> (0, 0, 0, 0)>
#map2 = affine_map<(d0, d1) -> (0, 0, 0)>
module attributes {stable_mosaic.version = 14 : i64} {
  func.func @prop(%arg0: i32, %arg1: i32, %arg2: memref<10000x128xf32, #tpu.memory_space<hbm>>, %arg3: memref<32x5x25x80xi32, #tpu.memory_space<hbm>>, %arg4: memref<32x5x25x80xi32, #tpu.memory_space<hbm>>, %arg5: memref<2x10000x128xf32, #tpu.memory_space<hbm>>, %arg6: memref<10008x128xf32, #tpu.memory_space<vmem_shared>>, %arg7: memref<2x25x80xi32, #tpu.memory_space<vmem>>, %arg8: memref<2x25x80xi32, #tpu.memory_space<vmem>>, %arg9: memref<2x80x128xf32, #tpu.memory_space<vmem>>, %arg10: memref<2x!tpu.dma_semaphore, #tpu.memory_space<semaphore_mem>>, %arg11: memref<2x!tpu.dma_semaphore, #tpu.memory_space<semaphore_mem>>, %arg12: memref<2x!tpu.dma_semaphore, #tpu.memory_space<semaphore_mem>>) attributes {dimension_semantics = [#tpu.dimension_semantics<core_parallel>, #tpu.dimension_semantics<subcore_parallel>], iteration_bounds = array<i64: 2, 16>, scalar_prefetch = 0 : i64, scratch_operands = 7 : i64, tpu.core_type = #tpu.core_type<sc_vector_subcore>, window_params = [{transform_indices = #map}, {transform_indices = #map1}, {transform_indices = #map1}, {transform_indices = #map2}]} {
    %mul3A = arith.constant 16 : i32
    %mul3A_0 = arith.muli %arg0, %mul3A : i32
    %add3A = arith.addi %mul3A_0, %arg1 : i32
    %broadcast_in_dim3A = arith.constant 0.000000e+00 : f32
    %broadcast_in_dim3A_1 = vector.broadcast %broadcast_in_dim3A : f32 to vector<16xf32>
    %scan3A = arith.constant 0 : i32
    %scan3A_2 = arith.constant 0 : i32
    %scan3A_3 = arith.constant 640 : i32
    %scan3A_4 = arith.addi %scan3A_2, %scan3A_3 : i32
    %scan3A_5 = arith.constant 1 : i32
    %scan3A_6 = scf.for %scan3A_133 = %scan3A_2 to %scan3A_4 step %scan3A_5 iter_args(%scan3A_134 = %scan3A) -> (i32)  : i32 {
      %jit3A = arith.constant 8 : i32
      %div3A = arith.divsi %scan3A_133, %jit3A : i32
      %sign3A = arith.constant 0 : i32
      %sign3A_135 = arith.cmpi sgt, %scan3A_133, %sign3A : i32
      %sign3A_136 = arith.extui %sign3A_135 : i1 to i32
      %sign3A_137 = arith.constant 0 : i32
      %sign3A_138 = arith.cmpi slt, %scan3A_133, %sign3A_137 : i32
      %sign3A_139 = arith.extui %sign3A_138 : i1 to i32
      %sign3A_140 = arith.subi %sign3A_136, %sign3A_139 : i32
      %sign3A_141 = arith.constant 0 : i32
      %sign3A_142 = arith.cmpi sgt, %jit3A, %sign3A_141 : i32
      %sign3A_143 = arith.extui %sign3A_142 : i1 to i32
      %sign3A_144 = arith.constant 0 : i32
      %sign3A_145 = arith.cmpi slt, %jit3A, %sign3A_144 : i32
      %sign3A_146 = arith.extui %sign3A_145 : i1 to i32
      %sign3A_147 = arith.subi %sign3A_143, %sign3A_146 : i32
      %ne3A = arith.cmpi ne, %sign3A_140, %sign3A_147 : i32
      %rem3A = arith.remsi %scan3A_133, %jit3A : i32
      %ne3A_148 = arith.constant 0 : i32
      %ne3A_149 = arith.cmpi ne, %rem3A, %ne3A_148 : i32
      %and3A = arith.andi %ne3A, %ne3A_149 : i1
      %sub3A = arith.constant 1 : i32
      %sub3A_150 = arith.subi %div3A, %sub3A : i32
      %select_n3A = arith.select %and3A, %sub3A_150, %div3A : i32
      %jit3A_151 = arith.constant 8 : i32
      %eq3A_152 = arith.constant 0 : i32
      %eq3A_153 = arith.cmpi eq, %jit3A_151, %eq3A_152 : i32
      %jit3A_154 = arith.constant 1 : i32
      %select_n3A_155 = arith.select %eq3A_153, %jit3A_154, %jit3A_151 : i32
      %rem3A_156 = arith.remsi %scan3A_133, %select_n3A_155 : i32
      %ne3A_157 = arith.constant 0 : i32
      %ne3A_158 = arith.cmpi ne, %rem3A_156, %ne3A_157 : i32
      %lt3A = arith.constant 0 : i32
      %lt3A_159 = arith.cmpi slt, %rem3A_156, %lt3A : i32
      %lt3A_160 = arith.constant 0 : i32
      %lt3A_161 = arith.cmpi slt, %select_n3A_155, %lt3A_160 : i32
      %ne3A_162 = arith.xori %lt3A_159, %lt3A_161 : i1
      %and3A_163 = arith.andi %ne3A_162, %ne3A_158 : i1
      %add3A_164 = arith.addi %rem3A_156, %select_n3A_155 : i32
      %select_n3A_165 = arith.select %and3A_163, %add3A_164, %rem3A_156 : i32
      %mul3A_166 = arith.constant 16 : i32
      %mul3A_167 = arith.muli %select_n3A_165, %mul3A_166 : i32
      %swap3A = arith.constant 0 : i32
      %swap3A_168 = arith.index_cast %swap3A : i32 to index
      %swap3A_169 = arith.index_cast %select_n3A : i32 to index
      %swap3A_170 = arith.index_cast %mul3A_167 : i32 to index
      %swap3A_171 = tpu.vector_load %arg9[%swap3A_168, %swap3A_169, %swap3A_170] {strides = array<i32>} : memref<2x80x128xf32, #tpu.memory_space<vmem>>, vector<1x1x16xf32>,
      %swap3A_172 = vector.shape_cast %swap3A_171 : vector<1x1x16xf32> to vector<16xf32>
      %swap3A_173 = vector.shape_cast %broadcast_in_dim3A_1 : vector<16xf32> to vector<1x1x16xf32>
      tpu.vector_store %arg9[%swap3A_168, %swap3A_169, %swap3A_170], %swap3A_173 {strides = array<i32>} : memref<2x80x128xf32, #tpu.memory_space<vmem>>, vector<1x1x16xf32>,
      %scan3A_174 = arith.constant 0 : i32
      scf.yield %scan3A_174 : i32
    }
    %scan3A_7 = arith.constant 640 : i32
    %mul3A_8 = arith.constant 624 : i32
    %mul3A_9 = arith.muli %arg1, %mul3A_8 : i32
    %add3A_10 = arith.constant 560 : i32
    %add3A_11 = arith.addi %mul3A_9, %add3A_10 : i32
    %scan3A_12 = arith.constant 0 : i32
    %scan3A_13 = arith.constant 0 : i32
    %scan3A_14 = arith.constant 7 : i32
    %scan3A_15 = arith.addi %scan3A_13, %scan3A_14 : i32
    %scan3A_16 = arith.constant 1 : i32
    %scan3A_17 = scf.for %scan3A_133 = %scan3A_13 to %scan3A_15 step %scan3A_16 iter_args(%scan3A_134 = %scan3A_12) -> (i32)  : i32 {
      %mul3A_135 = arith.constant 80 : i32
      %mul3A_136 = arith.muli %scan3A_133, %mul3A_135 : i32
      %add3A_137 = arith.addi %mul3A_9, %mul3A_136 : i32
      %dma_start3A_138 = arith.constant 0 : i32
      %dma_start3A_139 = arith.constant 0 : i32
      %dma_start3A_140 = arith.constant 0 : i32
      %dma_start3A_141 = arith.constant 0 : i32
      %dma_start3A_142 = tpu.memref_slice %arg9[%dma_start3A_138, %dma_start3A_140, %dma_start3A_141] : memref<2x80x128xf32, #tpu.memory_space<vmem>> -> memref<1x80x128xf32, #tpu.memory_space<vmem>>
      %dma_start3A_143 = tpu.memref_squeeze %dma_start3A_142 : memref<1x80x128xf32, #tpu.memory_space<vmem>> -> memref<80x128xf32, #tpu.memory_space<vmem>>
      %dma_start3A_144 = arith.constant 0 : i32
      %dma_start3A_145 = tpu.memref_slice %arg6[%add3A_137, %dma_start3A_144] : memref<10008x128xf32, #tpu.memory_space<vmem_shared>> -> memref<80x128xf32, #tpu.memory_space<vmem_shared>>
      %dma_start3A_146 = tpu.memref_slice %arg11[%dma_start3A_139] : memref<2x!tpu.dma_semaphore, #tpu.memory_space<semaphore_mem>> -> memref<1x!tpu.dma_semaphore, #tpu.memory_space<semaphore_mem>>
      %dma_start3A_147 = tpu.memref_squeeze %dma_start3A_146 : memref<1x!tpu.dma_semaphore, #tpu.memory_space<semaphore_mem>> -> memref<!tpu.dma_semaphore, #tpu.memory_space<semaphore_mem>>
      %dma_start3A_148 = arith.constant 0 : i32
      %dma_start3A_149 = tpu.memref_slice %arg6[%add3A_137, %dma_start3A_148] : memref<10008x128xf32, #tpu.memory_space<vmem_shared>> -> memref<80x128xf32, #tpu.memory_space<vmem_shared>>
      %dma_start3A_150 = arith.constant 0 : i32
      %dma_start3A_151 = arith.constant 0 : i32
      %dma_start3A_152 = tpu.memref_slice %arg9[%dma_start3A_138, %dma_start3A_150, %dma_start3A_151] : memref<2x80x128xf32, #tpu.memory_space<vmem>> -> memref<1x80x128xf32, #tpu.memory_space<vmem>>
      %dma_start3A_153 = tpu.memref_squeeze %dma_start3A_152 : memref<1x80x128xf32, #tpu.memory_space<vmem>> -> memref<80x128xf32, #tpu.memory_space<vmem>>
      tpu.enqueue_dma source(%dma_start3A_153 : memref<80x128xf32, #tpu.memory_space<vmem>>) target(%dma_start3A_149 : memref<80x128xf32, #tpu.memory_space<vmem_shared>>) target_semaphore(%dma_start3A_147 : memref<!tpu.dma_semaphore, #tpu.memory_space<semaphore_mem>>)
      %scan3A_154 = arith.constant 0 : i32
      scf.yield %scan3A_154 : i32
    }
    %scan3A_18 = arith.constant 7 : i32
    %dma_start3A = arith.constant 0 : i32
    %dma_start3A_19 = arith.constant 0 : i32
    %dma_start3A_20 = arith.constant 0 : i32
    %dma_start3A_21 = arith.constant 0 : i32
    %dma_start3A_22 = tpu.memref_slice %arg9[%dma_start3A, %dma_start3A_20, %dma_start3A_21] : memref<2x80x128xf32, #tpu.memory_space<vmem>> -> memref<1x64x128xf32, #tpu.memory_space<vmem>>
    %dma_start3A_23 = tpu.memref_squeeze %dma_start3A_22 : memref<1x64x128xf32, #tpu.memory_space<vmem>> -> memref<64x128xf32, #tpu.memory_space<vmem>>
    %dma_start3A_24 = arith.constant 0 : i32
    %dma_start3A_25 = tpu.memref_slice %arg6[%add3A_11, %dma_start3A_24] : memref<10008x128xf32, #tpu.memory_space<vmem_shared>> -> memref<64x128xf32, #tpu.memory_space<vmem_shared>>
    %dma_start3A_26 = tpu.memref_slice %arg11[%dma_start3A_19] : memref<2x!tpu.dma_semaphore, #tpu.memory_space<semaphore_mem>> -> memref<1x!tpu.dma_semaphore, #tpu.memory_space<semaphore_mem>>
    %dma_start3A_27 = tpu.memref_squeeze %dma_start3A_26 : memref<1x!tpu.dma_semaphore, #tpu.memory_space<semaphore_mem>> -> memref<!tpu.dma_semaphore, #tpu.memory_space<semaphore_mem>>
    %dma_start3A_28 = arith.constant 0 : i32
    %dma_start3A_29 = tpu.memref_slice %arg6[%add3A_11, %dma_start3A_28] : memref<10008x128xf32, #tpu.memory_space<vmem_shared>> -> memref<64x128xf32, #tpu.memory_space<vmem_shared>>
    %dma_start3A_30 = arith.constant 0 : i32
    %dma_start3A_31 = arith.constant 0 : i32
    %dma_start3A_32 = tpu.memref_slice %arg9[%dma_start3A, %dma_start3A_30, %dma_start3A_31] : memref<2x80x128xf32, #tpu.memory_space<vmem>> -> memref<1x64x128xf32, #tpu.memory_space<vmem>>
    %dma_start3A_33 = tpu.memref_squeeze %dma_start3A_32 : memref<1x64x128xf32, #tpu.memory_space<vmem>> -> memref<64x128xf32, #tpu.memory_space<vmem>>
    tpu.enqueue_dma source(%dma_start3A_33 : memref<64x128xf32, #tpu.memory_space<vmem>>) target(%dma_start3A_29 : memref<64x128xf32, #tpu.memory_space<vmem_shared>>) target_semaphore(%dma_start3A_27 : memref<!tpu.dma_semaphore, #tpu.memory_space<semaphore_mem>>)
    %eq3A = arith.constant 15 : i32
    %eq3A_34 = arith.cmpi eq, %arg1, %eq3A : i32
    %convert_element_type3A = arith.extui %eq3A_34 : i1 to i32
    %cond3A = arith.constant 0 : i32
    %cond3A_35 = arith.constant 0 : i32
    %cond3A_36 = arith.constant 0 : i32
    %cond3A_37 = arith.cmpi ne, %convert_element_type3A, %cond3A_36 : i32
    scf.if %cond3A_37 {
      %dma_start3A_133 = arith.constant 0 : i32
      %dma_start3A_134 = arith.constant 0 : i32
      %dma_start3A_135 = tpu.memref_slice %arg9[%cond3A, %dma_start3A_133, %dma_start3A_134] : memref<2x80x128xf32, #tpu.memory_space<vmem>> -> memref<1x16x128xf32, #tpu.memory_space<vmem>>
      %dma_start3A_136 = tpu.memref_squeeze %dma_start3A_135 : memref<1x16x128xf32, #tpu.memory_space<vmem>> -> memref<16x128xf32, #tpu.memory_space<vmem>>
      %dma_start3A_137 = arith.constant 9984 : i32
      %dma_start3A_138 = arith.constant 0 : i32
      %dma_start3A_139 = tpu.memref_slice %arg6[%dma_start3A_137, %dma_start3A_138] : memref<10008x128xf32, #tpu.memory_space<vmem_shared>> -> memref<16x128xf32, #tpu.memory_space<vmem_shared>>
      %dma_start3A_140 = tpu.memref_slice %arg11[%cond3A_35] : memref<2x!tpu.dma_semaphore, #tpu.memory_space<semaphore_mem>> -> memref<1x!tpu.dma_semaphore, #tpu.memory_space<semaphore_mem>>
      %dma_start3A_141 = tpu.memref_squeeze %dma_start3A_140 : memref<1x!tpu.dma_semaphore, #tpu.memory_space<semaphore_mem>> -> memref<!tpu.dma_semaphore, #tpu.memory_space<semaphore_mem>>
      %dma_start3A_142 = arith.constant 9984 : i32
      %dma_start3A_143 = arith.constant 0 : i32
      %dma_start3A_144 = tpu.memref_slice %arg6[%dma_start3A_142, %dma_start3A_143] : memref<10008x128xf32, #tpu.memory_space<vmem_shared>> -> memref<16x128xf32, #tpu.memory_space<vmem_shared>>
      %dma_start3A_145 = arith.constant 0 : i32
      %dma_start3A_146 = arith.constant 0 : i32
      %dma_start3A_147 = tpu.memref_slice %arg9[%cond3A, %dma_start3A_145, %dma_start3A_146] : memref<2x80x128xf32, #tpu.memory_space<vmem>> -> memref<1x16x128xf32, #tpu.memory_space<vmem>>
      %dma_start3A_148 = tpu.memref_squeeze %dma_start3A_147 : memref<1x16x128xf32, #tpu.memory_space<vmem>> -> memref<16x128xf32, #tpu.memory_space<vmem>>
      tpu.enqueue_dma source(%dma_start3A_148 : memref<16x128xf32, #tpu.memory_space<vmem>>) target(%dma_start3A_144 : memref<16x128xf32, #tpu.memory_space<vmem_shared>>) target_semaphore(%dma_start3A_141 : memref<!tpu.dma_semaphore, #tpu.memory_space<semaphore_mem>>)
    } else {
    }
    %scan3A_38 = arith.constant 0 : i32
    %scan3A_39 = arith.constant 0 : i32
    %scan3A_40 = arith.constant 7 : i32
    %scan3A_41 = arith.addi %scan3A_39, %scan3A_40 : i32
    %scan3A_42 = arith.constant 1 : i32
    %scan3A_43 = scf.for %scan3A_133 = %scan3A_39 to %scan3A_41 step %scan3A_42 iter_args(%scan3A_134 = %scan3A_38) -> (i32)  : i32 {
      %mul3A_135 = arith.constant 80 : i32
      %mul3A_136 = arith.muli %scan3A_133, %mul3A_135 : i32
      %add3A_137 = arith.addi %mul3A_9, %mul3A_136 : i32
      %dma_wait3A_138 = arith.constant 0 : i32
      %dma_wait3A_139 = arith.constant 0 : i32
      %dma_wait3A_140 = arith.constant 0 : i32
      %dma_wait3A_141 = arith.constant 0 : i32
      %dma_wait3A_142 = tpu.memref_slice %arg9[%dma_wait3A_138, %dma_wait3A_140, %dma_wait3A_141] : memref<2x80x128xf32, #tpu.memory_space<vmem>> -> memref<1x80x128xf32, #tpu.memory_space<vmem>>
      %dma_wait3A_143 = tpu.memref_squeeze %dma_wait3A_142 : memref<1x80x128xf32, #tpu.memory_space<vmem>> -> memref<80x128xf32, #tpu.memory_space<vmem>>
      %dma_wait3A_144 = arith.constant 0 : i32
      %dma_wait3A_145 = tpu.memref_slice %arg6[%add3A_137, %dma_wait3A_144] : memref<10008x128xf32, #tpu.memory_space<vmem_shared>> -> memref<80x128xf32, #tpu.memory_space<vmem_shared>>
      %dma_wait3A_146 = tpu.memref_slice %arg11[%dma_wait3A_139] : memref<2x!tpu.dma_semaphore, #tpu.memory_space<semaphore_mem>> -> memref<1x!tpu.dma_semaphore, #tpu.memory_space<semaphore_mem>>
      %dma_wait3A_147 = tpu.memref_squeeze %dma_wait3A_146 : memref<1x!tpu.dma_semaphore, #tpu.memory_space<semaphore_mem>> -> memref<!tpu.dma_semaphore, #tpu.memory_space<semaphore_mem>>
      %dma_wait3A_148 = arith.constant 0 : i32
      %dma_wait3A_149 = tpu.memref_slice %arg6[%add3A_137, %dma_wait3A_148] : memref<10008x128xf32, #tpu.memory_space<vmem_shared>> -> memref<80x128xf32, #tpu.memory_space<vmem_shared>>
      %dma_wait3A_150 = arith.constant 0 : i32
      %dma_wait3A_151 = arith.constant 0 : i32
      %dma_wait3A_152 = tpu.memref_slice %arg9[%dma_wait3A_138, %dma_wait3A_150, %dma_wait3A_151] : memref<2x80x128xf32, #tpu.memory_space<vmem>> -> memref<1x80x128xf32, #tpu.memory_space<vmem>>
      %dma_wait3A_153 = tpu.memref_squeeze %dma_wait3A_152 : memref<1x80x128xf32, #tpu.memory_space<vmem>> -> memref<80x128xf32, #tpu.memory_space<vmem>>
      tpu.wait_dma2 semaphore(%dma_wait3A_147 : memref<!tpu.dma_semaphore, #tpu.memory_space<semaphore_mem>>) src(%dma_wait3A_153 : memref<80x128xf32, #tpu.memory_space<vmem>>) dst(%dma_wait3A_149 : memref<80x128xf32, #tpu.memory_space<vmem_shared>>)
      %scan3A_154 = arith.constant 0 : i32
      scf.yield %scan3A_154 : i32
    }
    %scan3A_44 = arith.constant 7 : i32
    %dma_wait3A = arith.constant 0 : i32
    %dma_wait3A_45 = arith.constant 0 : i32
    %dma_wait3A_46 = arith.constant 0 : i32
    %dma_wait3A_47 = arith.constant 0 : i32
    %dma_wait3A_48 = tpu.memref_slice %arg9[%dma_wait3A, %dma_wait3A_46, %dma_wait3A_47] : memref<2x80x128xf32, #tpu.memory_space<vmem>> -> memref<1x64x128xf32, #tpu.memory_space<vmem>>
    %dma_wait3A_49 = tpu.memref_squeeze %dma_wait3A_48 : memref<1x64x128xf32, #tpu.memory_space<vmem>> -> memref<64x128xf32, #tpu.memory_space<vmem>>
    %dma_wait3A_50 = arith.constant 0 : i32
    %dma_wait3A_51 = tpu.memref_slice %arg6[%add3A_11, %dma_wait3A_50] : memref<10008x128xf32, #tpu.memory_space<vmem_shared>> -> memref<64x128xf32, #tpu.memory_space<vmem_shared>>
    %dma_wait3A_52 = tpu.memref_slice %arg11[%dma_wait3A_45] : memref<2x!tpu.dma_semaphore, #tpu.memory_space<semaphore_mem>> -> memref<1x!tpu.dma_semaphore, #tpu.memory_space<semaphore_mem>>
    %dma_wait3A_53 = tpu.memref_squeeze %dma_wait3A_52 : memref<1x!tpu.dma_semaphore, #tpu.memory_space<semaphore_mem>> -> memref<!tpu.dma_semaphore, #tpu.memory_space<semaphore_mem>>
    %dma_wait3A_54 = arith.constant 0 : i32
    %dma_wait3A_55 = tpu.memref_slice %arg6[%add3A_11, %dma_wait3A_54] : memref<10008x128xf32, #tpu.memory_space<vmem_shared>> -> memref<64x128xf32, #tpu.memory_space<vmem_shared>>
    %dma_wait3A_56 = arith.constant 0 : i32
    %dma_wait3A_57 = arith.constant 0 : i32
    %dma_wait3A_58 = tpu.memref_slice %arg9[%dma_wait3A, %dma_wait3A_56, %dma_wait3A_57] : memref<2x80x128xf32, #tpu.memory_space<vmem>> -> memref<1x64x128xf32, #tpu.memory_space<vmem>>
    %dma_wait3A_59 = tpu.memref_squeeze %dma_wait3A_58 : memref<1x64x128xf32, #tpu.memory_space<vmem>> -> memref<64x128xf32, #tpu.memory_space<vmem>>
    tpu.wait_dma2 semaphore(%dma_wait3A_53 : memref<!tpu.dma_semaphore, #tpu.memory_space<semaphore_mem>>) src(%dma_wait3A_59 : memref<64x128xf32, #tpu.memory_space<vmem>>) dst(%dma_wait3A_55 : memref<64x128xf32, #tpu.memory_space<vmem_shared>>)
    %eq3A_60 = arith.constant 15 : i32
    %eq3A_61 = arith.cmpi eq, %arg1, %eq3A_60 : i32
    %convert_element_type3A_62 = arith.extui %eq3A_61 : i1 to i32
    %cond3A_63 = arith.constant 0 : i32
    %cond3A_64 = arith.constant 0 : i32
    %cond3A_65 = arith.constant 0 : i32
    %cond3A_66 = arith.cmpi ne, %convert_element_type3A_62, %cond3A_65 : i32
    scf.if %cond3A_66 {
      %dma_wait3A_133 = arith.constant 0 : i32
      %dma_wait3A_134 = arith.constant 0 : i32
      %dma_wait3A_135 = tpu.memref_slice %arg9[%cond3A_63, %dma_wait3A_133, %dma_wait3A_134] : memref<2x80x128xf32, #tpu.memory_space<vmem>> -> memref<1x16x128xf32, #tpu.memory_space<vmem>>
      %dma_wait3A_136 = tpu.memref_squeeze %dma_wait3A_135 : memref<1x16x128xf32, #tpu.memory_space<vmem>> -> memref<16x128xf32, #tpu.memory_space<vmem>>
      %dma_wait3A_137 = arith.constant 9984 : i32
      %dma_wait3A_138 = arith.constant 0 : i32
      %dma_wait3A_139 = tpu.memref_slice %arg6[%dma_wait3A_137, %dma_wait3A_138] : memref<10008x128xf32, #tpu.memory_space<vmem_shared>> -> memref<16x128xf32, #tpu.memory_space<vmem_shared>>
      %dma_wait3A_140 = tpu.memref_slice %arg11[%cond3A_64] : memref<2x!tpu.dma_semaphore, #tpu.memory_space<semaphore_mem>> -> memref<1x!tpu.dma_semaphore, #tpu.memory_space<semaphore_mem>>
      %dma_wait3A_141 = tpu.memref_squeeze %dma_wait3A_140 : memref<1x!tpu.dma_semaphore, #tpu.memory_space<semaphore_mem>> -> memref<!tpu.dma_semaphore, #tpu.memory_space<semaphore_mem>>
      %dma_wait3A_142 = arith.constant 9984 : i32
      %dma_wait3A_143 = arith.constant 0 : i32
      %dma_wait3A_144 = tpu.memref_slice %arg6[%dma_wait3A_142, %dma_wait3A_143] : memref<10008x128xf32, #tpu.memory_space<vmem_shared>> -> memref<16x128xf32, #tpu.memory_space<vmem_shared>>
      %dma_wait3A_145 = arith.constant 0 : i32
      %dma_wait3A_146 = arith.constant 0 : i32
      %dma_wait3A_147 = tpu.memref_slice %arg9[%cond3A_63, %dma_wait3A_145, %dma_wait3A_146] : memref<2x80x128xf32, #tpu.memory_space<vmem>> -> memref<1x16x128xf32, #tpu.memory_space<vmem>>
      %dma_wait3A_148 = tpu.memref_squeeze %dma_wait3A_147 : memref<1x16x128xf32, #tpu.memory_space<vmem>> -> memref<16x128xf32, #tpu.memory_space<vmem>>
      tpu.wait_dma2 semaphore(%dma_wait3A_141 : memref<!tpu.dma_semaphore, #tpu.memory_space<semaphore_mem>>) src(%dma_wait3A_148 : memref<16x128xf32, #tpu.memory_space<vmem>>) dst(%dma_wait3A_144 : memref<16x128xf32, #tpu.memory_space<vmem_shared>>)
    } else {
    }
    %run_scoped3A = arith.constant 0 : i32
    %run_scoped3A_67 = arith.constant 0 : i32
    "tpu.region"() ({
      %run_scoped3A_133 = tpu.sem_alloc : memref<!tpu.dma_semaphore, #tpu.memory_space<semaphore_mem>>
      %dma_start3A_134 = arith.constant 0 : i32
      %dma_start3A_135 = arith.constant 0 : i32
      %dma_start3A_136 = tpu.memref_slice %arg7[%run_scoped3A_67, %dma_start3A_134, %dma_start3A_135] : memref<2x25x80xi32, #tpu.memory_space<vmem>> -> memref<1x25x80xi32, #tpu.memory_space<vmem>>
      %dma_start3A_137 = tpu.memref_squeeze %dma_start3A_136 : memref<1x25x80xi32, #tpu.memory_space<vmem>> -> memref<25x80xi32, #tpu.memory_space<vmem>>
      %dma_start3A_138 = arith.constant 0 : i32
      %dma_start3A_139 = arith.constant 0 : i32
      %dma_start3A_140 = tpu.memref_slice %arg3[%add3A, %run_scoped3A, %dma_start3A_138, %dma_start3A_139] : memref<32x5x25x80xi32, #tpu.memory_space<hbm>> -> memref<1x1x25x80xi32, #tpu.memory_space<hbm>>
      %dma_start3A_141 = tpu.memref_squeeze %dma_start3A_140 : memref<1x1x25x80xi32, #tpu.memory_space<hbm>> -> memref<25x80xi32, #tpu.memory_space<hbm>>
      %dma_start3A_142 = arith.constant 0 : i32
      %dma_start3A_143 = arith.constant 0 : i32
      %dma_start3A_144 = tpu.memref_slice %arg7[%run_scoped3A_67, %dma_start3A_142, %dma_start3A_143] : memref<2x25x80xi32, #tpu.memory_space<vmem>> -> memref<1x25x80xi32, #tpu.memory_space<vmem>>
      %dma_start3A_145 = tpu.memref_squeeze %dma_start3A_144 : memref<1x25x80xi32, #tpu.memory_space<vmem>> -> memref<25x80xi32, #tpu.memory_space<vmem>>
      %dma_start3A_146 = arith.constant 0 : i32
      %dma_start3A_147 = arith.constant 0 : i32
      %dma_start3A_148 = tpu.memref_slice %arg3[%add3A, %run_scoped3A, %dma_start3A_146, %dma_start3A_147] : memref<32x5x25x80xi32, #tpu.memory_space<hbm>> -> memref<1x1x25x80xi32, #tpu.memory_space<hbm>>
      %dma_start3A_149 = tpu.memref_squeeze %dma_start3A_148 : memref<1x1x25x80xi32, #tpu.memory_space<hbm>> -> memref<25x80xi32, #tpu.memory_space<hbm>>
      tpu.enqueue_dma source(%dma_start3A_149 : memref<25x80xi32, #tpu.memory_space<hbm>>) target(%dma_start3A_145 : memref<25x80xi32, #tpu.memory_space<vmem>>) target_semaphore(%run_scoped3A_133 : memref<!tpu.dma_semaphore, #tpu.memory_space<semaphore_mem>>)
      %dma_wait3A_150 = arith.constant 0 : i32
      %dma_wait3A_151 = arith.constant 0 : i32
      %dma_wait3A_152 = tpu.memref_slice %arg7[%run_scoped3A_67, %dma_wait3A_150, %dma_wait3A_151] : memref<2x25x80xi32, #tpu.memory_space<vmem>> -> memref<1x25x80xi32, #tpu.memory_space<vmem>>
      %dma_wait3A_153 = tpu.memref_squeeze %dma_wait3A_152 : memref<1x25x80xi32, #tpu.memory_space<vmem>> -> memref<25x80xi32, #tpu.memory_space<vmem>>
      %dma_wait3A_154 = arith.constant 0 : i32
      %dma_wait3A_155 = arith.constant 0 : i32
      %dma_wait3A_156 = tpu.memref_slice %arg3[%add3A, %run_scoped3A, %dma_wait3A_154, %dma_wait3A_155] : memref<32x5x25x80xi32, #tpu.memory_space<hbm>> -> memref<1x1x25x80xi32, #tpu.memory_space<hbm>>
      %dma_wait3A_157 = tpu.memref_squeeze %dma_wait3A_156 : memref<1x1x25x80xi32, #tpu.memory_space<hbm>> -> memref<25x80xi32, #tpu.memory_space<hbm>>
      %dma_wait3A_158 = arith.constant 0 : i32
      %dma_wait3A_159 = arith.constant 0 : i32
      %dma_wait3A_160 = tpu.memref_slice %arg7[%run_scoped3A_67, %dma_wait3A_158, %dma_wait3A_159] : memref<2x25x80xi32, #tpu.memory_space<vmem>> -> memref<1x25x80xi32, #tpu.memory_space<vmem>>
      %dma_wait3A_161 = tpu.memref_squeeze %dma_wait3A_160 : memref<1x25x80xi32, #tpu.memory_space<vmem>> -> memref<25x80xi32, #tpu.memory_space<vmem>>
      %dma_wait3A_162 = arith.constant 0 : i32
      %dma_wait3A_163 = arith.constant 0 : i32
      %dma_wait3A_164 = tpu.memref_slice %arg3[%add3A, %run_scoped3A, %dma_wait3A_162, %dma_wait3A_163] : memref<32x5x25x80xi32, #tpu.memory_space<hbm>> -> memref<1x1x25x80xi32, #tpu.memory_space<hbm>>
      %dma_wait3A_165 = tpu.memref_squeeze %dma_wait3A_164 : memref<1x1x25x80xi32, #tpu.memory_space<hbm>> -> memref<25x80xi32, #tpu.memory_space<hbm>>
      tpu.wait_dma2 semaphore(%run_scoped3A_133 : memref<!tpu.dma_semaphore, #tpu.memory_space<semaphore_mem>>) src(%dma_wait3A_165 : memref<25x80xi32, #tpu.memory_space<hbm>>) dst(%dma_wait3A_161 : memref<25x80xi32, #tpu.memory_space<vmem>>)
      tpu.yield
    }) : () -> ()
    %run_scoped3A_68 = arith.constant 0 : i32
    %run_scoped3A_69 = arith.constant 0 : i32
    "tpu.region"() ({
      %run_scoped3A_133 = tpu.sem_alloc : memref<!tpu.dma_semaphore, #tpu.memory_space<semaphore_mem>>
      %dma_start3A_134 = arith.constant 0 : i32
      %dma_start3A_135 = arith.constant 0 : i32
      %dma_start3A_136 = tpu.memref_slice %arg8[%run_scoped3A_69, %dma_start3A_134, %dma_start3A_135] : memref<2x25x80xi32, #tpu.memory_space<vmem>> -> memref<1x25x80xi32, #tpu.memory_space<vmem>>
      %dma_start3A_137 = tpu.memref_squeeze %dma_start3A_136 : memref<1x25x80xi32, #tpu.memory_space<vmem>> -> memref<25x80xi32, #tpu.memory_space<vmem>>
      %dma_start3A_138 = arith.constant 0 : i32
      %dma_start3A_139 = arith.constant 0 : i32
      %dma_start3A_140 = tpu.memref_slice %arg4[%add3A, %run_scoped3A_68, %dma_start3A_138, %dma_start3A_139] : memref<32x5x25x80xi32, #tpu.memory_space<hbm>> -> memref<1x1x25x80xi32, #tpu.memory_space<hbm>>
      %dma_start3A_141 = tpu.memref_squeeze %dma_start3A_140 : memref<1x1x25x80xi32, #tpu.memory_space<hbm>> -> memref<25x80xi32, #tpu.memory_space<hbm>>
      %dma_start3A_142 = arith.constant 0 : i32
      %dma_start3A_143 = arith.constant 0 : i32
      %dma_start3A_144 = tpu.memref_slice %arg8[%run_scoped3A_69, %dma_start3A_142, %dma_start3A_143] : memref<2x25x80xi32, #tpu.memory_space<vmem>> -> memref<1x25x80xi32, #tpu.memory_space<vmem>>
      %dma_start3A_145 = tpu.memref_squeeze %dma_start3A_144 : memref<1x25x80xi32, #tpu.memory_space<vmem>> -> memref<25x80xi32, #tpu.memory_space<vmem>>
      %dma_start3A_146 = arith.constant 0 : i32
      %dma_start3A_147 = arith.constant 0 : i32
      %dma_start3A_148 = tpu.memref_slice %arg4[%add3A, %run_scoped3A_68, %dma_start3A_146, %dma_start3A_147] : memref<32x5x25x80xi32, #tpu.memory_space<hbm>> -> memref<1x1x25x80xi32, #tpu.memory_space<hbm>>
      %dma_start3A_149 = tpu.memref_squeeze %dma_start3A_148 : memref<1x1x25x80xi32, #tpu.memory_space<hbm>> -> memref<25x80xi32, #tpu.memory_space<hbm>>
      tpu.enqueue_dma source(%dma_start3A_149 : memref<25x80xi32, #tpu.memory_space<hbm>>) target(%dma_start3A_145 : memref<25x80xi32, #tpu.memory_space<vmem>>) target_semaphore(%run_scoped3A_133 : memref<!tpu.dma_semaphore, #tpu.memory_space<semaphore_mem>>)
      %dma_wait3A_150 = arith.constant 0 : i32
      %dma_wait3A_151 = arith.constant 0 : i32
      %dma_wait3A_152 = tpu.memref_slice %arg8[%run_scoped3A_69, %dma_wait3A_150, %dma_wait3A_151] : memref<2x25x80xi32, #tpu.memory_space<vmem>> -> memref<1x25x80xi32, #tpu.memory_space<vmem>>
      %dma_wait3A_153 = tpu.memref_squeeze %dma_wait3A_152 : memref<1x25x80xi32, #tpu.memory_space<vmem>> -> memref<25x80xi32, #tpu.memory_space<vmem>>
      %dma_wait3A_154 = arith.constant 0 : i32
      %dma_wait3A_155 = arith.constant 0 : i32
      %dma_wait3A_156 = tpu.memref_slice %arg4[%add3A, %run_scoped3A_68, %dma_wait3A_154, %dma_wait3A_155] : memref<32x5x25x80xi32, #tpu.memory_space<hbm>> -> memref<1x1x25x80xi32, #tpu.memory_space<hbm>>
      %dma_wait3A_157 = tpu.memref_squeeze %dma_wait3A_156 : memref<1x1x25x80xi32, #tpu.memory_space<hbm>> -> memref<25x80xi32, #tpu.memory_space<hbm>>
      %dma_wait3A_158 = arith.constant 0 : i32
      %dma_wait3A_159 = arith.constant 0 : i32
      %dma_wait3A_160 = tpu.memref_slice %arg8[%run_scoped3A_69, %dma_wait3A_158, %dma_wait3A_159] : memref<2x25x80xi32, #tpu.memory_space<vmem>> -> memref<1x25x80xi32, #tpu.memory_space<vmem>>
      %dma_wait3A_161 = tpu.memref_squeeze %dma_wait3A_160 : memref<1x25x80xi32, #tpu.memory_space<vmem>> -> memref<25x80xi32, #tpu.memory_space<vmem>>
      %dma_wait3A_162 = arith.constant 0 : i32
      %dma_wait3A_163 = arith.constant 0 : i32
      %dma_wait3A_164 = tpu.memref_slice %arg4[%add3A, %run_scoped3A_68, %dma_wait3A_162, %dma_wait3A_163] : memref<32x5x25x80xi32, #tpu.memory_space<hbm>> -> memref<1x1x25x80xi32, #tpu.memory_space<hbm>>
      %dma_wait3A_165 = tpu.memref_squeeze %dma_wait3A_164 : memref<1x1x25x80xi32, #tpu.memory_space<hbm>> -> memref<25x80xi32, #tpu.memory_space<hbm>>
      tpu.wait_dma2 semaphore(%run_scoped3A_133 : memref<!tpu.dma_semaphore, #tpu.memory_space<semaphore_mem>>) src(%dma_wait3A_165 : memref<25x80xi32, #tpu.memory_space<hbm>>) dst(%dma_wait3A_161 : memref<25x80xi32, #tpu.memory_space<vmem>>)
      tpu.yield
    }) : () -> ()
    %barrier3A = arith.constant 0 : index
    tpu.barrier barrier_id(%barrier3A)
    %dma_start3A_70 = arith.constant 0 : i32
    %dma_start3A_71 = arith.constant 0 : i32
    %dma_start3A_72 = arith.constant 0 : i32
    %dma_start3A_73 = arith.constant 0 : i32
    %dma_start3A_74 = arith.constant 0 : i32
    %dma_start3A_75 = arith.constant 0 : i32
    %dma_start3A_76 = tpu.memref_slice %arg9[%dma_start3A_72, %dma_start3A_74, %dma_start3A_75] : memref<2x80x128xf32, #tpu.memory_space<vmem>> -> memref<1x80x128xf32, #tpu.memory_space<vmem>>
    %dma_start3A_77 = tpu.memref_squeeze %dma_start3A_76 : memref<1x80x128xf32, #tpu.memory_space<vmem>> -> memref<80x128xf32, #tpu.memory_space<vmem>>
    %dma_start3A_78 = arith.constant 0 : i32
    %dma_start3A_79 = tpu.memref_slice %arg7[%dma_start3A_70, %dma_start3A_71, %dma_start3A_78] : memref<2x25x80xi32, #tpu.memory_space<vmem>> -> memref<1x1x80xi32, #tpu.memory_space<vmem>>
    %dma_start3A_80 = tpu.memref_squeeze %dma_start3A_79 : memref<1x1x80xi32, #tpu.memory_space<vmem>> -> memref<80xi32, #tpu.memory_space<vmem>>
    %dma_start3A_81 = arith.constant 0 : i32
    %dma_start3A_82 = arith.constant 0 : i32
    %dma_start3A_83 = tpu.memref_slice %arg2[%dma_start3A_81, %dma_start3A_82] : memref<10000x128xf32, #tpu.memory_space<hbm>> -> memref<10000x128xf32, #tpu.memory_space<hbm>>
    %dma_start3A_84 = tpu.memref_slice %arg10[%dma_start3A_73] : memref<2x!tpu.dma_semaphore, #tpu.memory_space<semaphore_mem>> -> memref<1x!tpu.dma_semaphore, #tpu.memory_space<semaphore_mem>>
    %dma_start3A_85 = tpu.memref_squeeze %dma_start3A_84 : memref<1x!tpu.dma_semaphore, #tpu.memory_space<semaphore_mem>> -> memref<!tpu.dma_semaphore, #tpu.memory_space<semaphore_mem>>
    tpu.enqueue_indirect_dma source(%dma_start3A_83 : memref<10000x128xf32, #tpu.memory_space<hbm>>) target(%dma_start3A_77 : memref<80x128xf32, #tpu.memory_space<vmem>>) offsets(%dma_start3A_80 : memref<80xi32, #tpu.memory_space<vmem>>) semaphore(%dma_start3A_85 : memref<!tpu.dma_semaphore, #tpu.memory_space<semaphore_mem>>)
    %scan3A_86 = arith.constant 0 : i32
    %scan3A_87 = arith.constant 0 : i32
    %scan3A_88 = arith.constant 125 : i32
    %scan3A_89 = arith.addi %scan3A_87, %scan3A_88 : i32
    %scan3A_90 = arith.constant 1 : i32
    %scan3A_91 = scf.for %scan3A_133 = %scan3A_87 to %scan3A_89 step %scan3A_90 iter_args(%scan3A_134 = %scan3A_86) -> (i32)  : i32 {
      %rem3A = arith.constant 2 : i32
      %rem3A_135 = arith.remsi %scan3A_133, %rem3A : i32
      %sub3A = arith.constant 1 : i32
      %sub3A_136 = arith.subi %sub3A, %rem3A_135 : i32
      %jit3A = arith.constant 25 : i32
      %div3A = arith.divsi %scan3A_133, %jit3A : i32
      %sign3A = arith.constant 0 : i32
      %sign3A_137 = arith.cmpi sgt, %scan3A_133, %sign3A : i32
      %sign3A_138 = arith.extui %sign3A_137 : i1 to i32
      %sign3A_139 = arith.constant 0 : i32
      %sign3A_140 = arith.cmpi slt, %scan3A_133, %sign3A_139 : i32
      %sign3A_141 = arith.extui %sign3A_140 : i1 to i32
      %sign3A_142 = arith.subi %sign3A_138, %sign3A_141 : i32
      %sign3A_143 = arith.constant 0 : i32
      %sign3A_144 = arith.cmpi sgt, %jit3A, %sign3A_143 : i32
      %sign3A_145 = arith.extui %sign3A_144 : i1 to i32
      %sign3A_146 = arith.constant 0 : i32
      %sign3A_147 = arith.cmpi slt, %jit3A, %sign3A_146 : i32
      %sign3A_148 = arith.extui %sign3A_147 : i1 to i32
      %sign3A_149 = arith.subi %sign3A_145, %sign3A_148 : i32
      %ne3A = arith.cmpi ne, %sign3A_142, %sign3A_149 : i32
      %rem3A_150 = arith.remsi %scan3A_133, %jit3A : i32
      %ne3A_151 = arith.constant 0 : i32
      %ne3A_152 = arith.cmpi ne, %rem3A_150, %ne3A_151 : i32
      %and3A = arith.andi %ne3A, %ne3A_152 : i1
      %sub3A_153 = arith.constant 1 : i32
      %sub3A_154 = arith.subi %div3A, %sub3A_153 : i32
      %select_n3A = arith.select %and3A, %sub3A_154, %div3A : i32
      %mul3A_155 = arith.constant 25 : i32
      %mul3A_156 = arith.muli %select_n3A, %mul3A_155 : i32
      %sub3A_157 = arith.subi %scan3A_133, %mul3A_156 : i32
      %rem3A_158 = arith.constant 2 : i32
      %rem3A_159 = arith.remsi %select_n3A, %rem3A_158 : i32
      %sub3A_160 = arith.constant 1 : i32
      %sub3A_161 = arith.subi %sub3A_160, %rem3A_159 : i32
      %jit3A_162 = arith.constant 25 : i32
      %div3A_163 = arith.divsi %scan3A_133, %jit3A_162 : i32
      %sign3A_164 = arith.constant 0 : i32
      %sign3A_165 = arith.cmpi sgt, %scan3A_133, %sign3A_164 : i32
      %sign3A_166 = arith.extui %sign3A_165 : i1 to i32
      %sign3A_167 = arith.constant 0 : i32
      %sign3A_168 = arith.cmpi slt, %scan3A_133, %sign3A_167 : i32
      %sign3A_169 = arith.extui %sign3A_168 : i1 to i32
      %sign3A_170 = arith.subi %sign3A_166, %sign3A_169 : i32
      %sign3A_171 = arith.constant 0 : i32
      %sign3A_172 = arith.cmpi sgt, %jit3A_162, %sign3A_171 : i32
      %sign3A_173 = arith.extui %sign3A_172 : i1 to i32
      %sign3A_174 = arith.constant 0 : i32
      %sign3A_175 = arith.cmpi slt, %jit3A_162, %sign3A_174 : i32
      %sign3A_176 = arith.extui %sign3A_175 : i1 to i32
      %sign3A_177 = arith.subi %sign3A_173, %sign3A_176 : i32
      %ne3A_178 = arith.cmpi ne, %sign3A_170, %sign3A_177 : i32
      %rem3A_179 = arith.remsi %scan3A_133, %jit3A_162 : i32
      %ne3A_180 = arith.constant 0 : i32
      %ne3A_181 = arith.cmpi ne, %rem3A_179, %ne3A_180 : i32
      %and3A_182 = arith.andi %ne3A_178, %ne3A_181 : i1
      %sub3A_183 = arith.constant 1 : i32
      %sub3A_184 = arith.subi %div3A_163, %sub3A_183 : i32
      %select_n3A_185 = arith.select %and3A_182, %sub3A_184, %div3A_163 : i32
      %rem3A_186 = arith.constant 2 : i32
      %rem3A_187 = arith.remsi %select_n3A_185, %rem3A_186 : i32
      %mul3A_188 = arith.constant 25 : i32
      %mul3A_189 = arith.muli %select_n3A_185, %mul3A_188 : i32
      %sub3A_190 = arith.subi %scan3A_133, %mul3A_189 : i32
      %ge3A = arith.constant 1 : i32
      %ge3A_191 = arith.cmpi sge, %scan3A_133, %ge3A : i32
      %add3A_192 = arith.constant 1 : i32
      %add3A_193 = arith.addi %scan3A_133, %add3A_192 : i32
      %lt3A = arith.constant 125 : i32
      %lt3A_194 = arith.cmpi slt, %add3A_193, %lt3A : i32
      %and3A_195 = arith.andi %ge3A_191, %lt3A_194 : i1
      %convert_element_type3A_196 = arith.extui %and3A_195 : i1 to i32
      %cond3A_197 = arith.constant 0 : i32
      %cond3A_198 = arith.cmpi ne, %convert_element_type3A_196, %cond3A_197 : i32
      scf.if %cond3A_198 {
        %sub3A_253 = arith.constant 1 : i32
        %sub3A_254 = arith.subi %scan3A_133, %sub3A_253 : i32
        %jit3A_255 = arith.constant 25 : i32
        %div3A_256 = arith.divsi %sub3A_254, %jit3A_255 : i32
        %sign3A_257 = arith.constant 0 : i32
        %sign3A_258 = arith.cmpi sgt, %sub3A_254, %sign3A_257 : i32
        %sign3A_259 = arith.extui %sign3A_258 : i1 to i32
        %sign3A_260 = arith.constant 0 : i32
        %sign3A_261 = arith.cmpi slt, %sub3A_254, %sign3A_260 : i32
        %sign3A_262 = arith.extui %sign3A_261 : i1 to i32
        %sign3A_263 = arith.subi %sign3A_259, %sign3A_262 : i32
        %sign3A_264 = arith.constant 0 : i32
        %sign3A_265 = arith.cmpi sgt, %jit3A_255, %sign3A_264 : i32
        %sign3A_266 = arith.extui %sign3A_265 : i1 to i32
        %sign3A_267 = arith.constant 0 : i32
        %sign3A_268 = arith.cmpi slt, %jit3A_255, %sign3A_267 : i32
        %sign3A_269 = arith.extui %sign3A_268 : i1 to i32
        %sign3A_270 = arith.subi %sign3A_266, %sign3A_269 : i32
        %ne3A_271 = arith.cmpi ne, %sign3A_263, %sign3A_270 : i32
        %rem3A_272 = arith.remsi %sub3A_254, %jit3A_255 : i32
        %ne3A_273 = arith.constant 0 : i32
        %ne3A_274 = arith.cmpi ne, %rem3A_272, %ne3A_273 : i32
        %and3A_275 = arith.andi %ne3A_271, %ne3A_274 : i1
        %sub3A_276 = arith.constant 1 : i32
        %sub3A_277 = arith.subi %div3A_256, %sub3A_276 : i32
        %select_n3A_278 = arith.select %and3A_275, %sub3A_277, %div3A_256 : i32
        %rem3A_279 = arith.constant 2 : i32
        %rem3A_280 = arith.remsi %select_n3A_278, %rem3A_279 : i32
        %mul3A_281 = arith.constant 25 : i32
        %mul3A_282 = arith.muli %select_n3A_278, %mul3A_281 : i32
        %sub3A_283 = arith.subi %sub3A_254, %mul3A_282 : i32
        %dma_wait3A_284 = arith.constant 0 : i32
        %dma_wait3A_285 = arith.constant 0 : i32
        %dma_wait3A_286 = tpu.memref_slice %arg9[%sub3A_136, %dma_wait3A_284, %dma_wait3A_285] : memref<2x80x128xf32, #tpu.memory_space<vmem>> -> memref<1x80x128xf32, #tpu.memory_space<vmem>>
        %dma_wait3A_287 = tpu.memref_squeeze %dma_wait3A_286 : memref<1x80x128xf32, #tpu.memory_space<vmem>> -> memref<80x128xf32, #tpu.memory_space<vmem>>
        %dma_wait3A_288 = arith.constant 0 : i32
        %dma_wait3A_289 = tpu.memref_slice %arg8[%rem3A_280, %sub3A_283, %dma_wait3A_288] : memref<2x25x80xi32, #tpu.memory_space<vmem>> -> memref<1x1x80xi32, #tpu.memory_space<vmem>>
        %dma_wait3A_290 = tpu.memref_squeeze %dma_wait3A_289 : memref<1x1x80xi32, #tpu.memory_space<vmem>> -> memref<80xi32, #tpu.memory_space<vmem>>
        %dma_wait3A_291 = arith.constant 0 : i32
        %dma_wait3A_292 = arith.constant 0 : i32
        %dma_wait3A_293 = tpu.memref_slice %arg6[%dma_wait3A_291, %dma_wait3A_292] : memref<10008x128xf32, #tpu.memory_space<vmem_shared>> -> memref<10008x128xf32, #tpu.memory_space<vmem_shared>>
        %dma_wait3A_294 = tpu.memref_slice %arg11[%sub3A_136] : memref<2x!tpu.dma_semaphore, #tpu.memory_space<semaphore_mem>> -> memref<1x!tpu.dma_semaphore, #tpu.memory_space<semaphore_mem>>
        %dma_wait3A_295 = tpu.memref_squeeze %dma_wait3A_294 : memref<1x!tpu.dma_semaphore, #tpu.memory_space<semaphore_mem>> -> memref<!tpu.dma_semaphore, #tpu.memory_space<semaphore_mem>>
        tpu.wait_indirect_dma semaphore(%dma_wait3A_295 : memref<!tpu.dma_semaphore, #tpu.memory_space<semaphore_mem>>) src(%dma_wait3A_287 : memref<80x128xf32, #tpu.memory_space<vmem>>) dst(%dma_wait3A_293 : memref<10008x128xf32, #tpu.memory_space<vmem_shared>>)
      } else {
      }
      %eq3A_199 = arith.constant 0 : i32
      %eq3A_200 = arith.cmpi eq, %sub3A_157, %eq3A_199 : i32
      %add3A_201 = arith.constant 1 : i32
      %add3A_202 = arith.addi %select_n3A, %add3A_201 : i32
      %mul3A_203 = arith.constant 25 : i32
      %mul3A_204 = arith.muli %add3A_202, %mul3A_203 : i32
      %lt3A_205 = arith.constant 125 : i32
      %lt3A_206 = arith.cmpi slt, %mul3A_204, %lt3A_205 : i32
      %and3A_207 = arith.andi %eq3A_200, %lt3A_206 : i1
      %convert_element_type3A_208 = arith.extui %and3A_207 : i1 to i32
      %cond3A_209 = arith.constant 0 : i32
      %cond3A_210 = arith.cmpi ne, %convert_element_type3A_208, %cond3A_209 : i32
      scf.if %cond3A_210 {
        %add3A_253 = arith.constant 1 : i32
        %add3A_254 = arith.addi %select_n3A, %add3A_253 : i32
        %dma_start3A_255 = arith.constant 0 : i32
        %dma_start3A_256 = arith.constant 0 : i32
        %dma_start3A_257 = tpu.memref_slice %arg7[%sub3A_161, %dma_start3A_255, %dma_start3A_256] : memref<2x25x80xi32, #tpu.memory_space<vmem>> -> memref<1x25x80xi32, #tpu.memory_space<vmem>>
        %dma_start3A_258 = tpu.memref_squeeze %dma_start3A_257 : memref<1x25x80xi32, #tpu.memory_space<vmem>> -> memref<25x80xi32, #tpu.memory_space<vmem>>
        %dma_start3A_259 = arith.constant 0 : i32
        %dma_start3A_260 = arith.constant 0 : i32
        %dma_start3A_261 = tpu.memref_slice %arg3[%add3A, %add3A_254, %dma_start3A_259, %dma_start3A_260] : memref<32x5x25x80xi32, #tpu.memory_space<hbm>> -> memref<1x1x25x80xi32, #tpu.memory_space<hbm>>
        %dma_start3A_262 = tpu.memref_squeeze %dma_start3A_261 : memref<1x1x25x80xi32, #tpu.memory_space<hbm>> -> memref<25x80xi32, #tpu.memory_space<hbm>>
        %dma_start3A_263 = tpu.memref_slice %arg12[%sub3A_161] : memref<2x!tpu.dma_semaphore, #tpu.memory_space<semaphore_mem>> -> memref<1x!tpu.dma_semaphore, #tpu.memory_space<semaphore_mem>>
        %dma_start3A_264 = tpu.memref_squeeze %dma_start3A_263 : memref<1x!tpu.dma_semaphore, #tpu.memory_space<semaphore_mem>> -> memref<!tpu.dma_semaphore, #tpu.memory_space<semaphore_mem>>
        %dma_start3A_265 = arith.constant 0 : i32
        %dma_start3A_266 = arith.constant 0 : i32
        %dma_start3A_267 = tpu.memref_slice %arg7[%sub3A_161, %dma_start3A_265, %dma_start3A_266] : memref<2x25x80xi32, #tpu.memory_space<vmem>> -> memref<1x25x80xi32, #tpu.memory_space<vmem>>
        %dma_start3A_268 = tpu.memref_squeeze %dma_start3A_267 : memref<1x25x80xi32, #tpu.memory_space<vmem>> -> memref<25x80xi32, #tpu.memory_space<vmem>>
        %dma_start3A_269 = arith.constant 0 : i32
        %dma_start3A_270 = arith.constant 0 : i32
        %dma_start3A_271 = tpu.memref_slice %arg3[%add3A, %add3A_254, %dma_start3A_269, %dma_start3A_270] : memref<32x5x25x80xi32, #tpu.memory_space<hbm>> -> memref<1x1x25x80xi32, #tpu.memory_space<hbm>>
        %dma_start3A_272 = tpu.memref_squeeze %dma_start3A_271 : memref<1x1x25x80xi32, #tpu.memory_space<hbm>> -> memref<25x80xi32, #tpu.memory_space<hbm>>
        tpu.enqueue_dma source(%dma_start3A_272 : memref<25x80xi32, #tpu.memory_space<hbm>>) target(%dma_start3A_268 : memref<25x80xi32, #tpu.memory_space<vmem>>) target_semaphore(%dma_start3A_264 : memref<!tpu.dma_semaphore, #tpu.memory_space<semaphore_mem>>)
        %add3A_273 = arith.constant 1 : i32
        %add3A_274 = arith.addi %select_n3A, %add3A_273 : i32
        %dma_start3A_275 = arith.constant 0 : i32
        %dma_start3A_276 = arith.constant 0 : i32
        %dma_start3A_277 = tpu.memref_slice %arg8[%sub3A_161, %dma_start3A_275, %dma_start3A_276] : memref<2x25x80xi32, #tpu.memory_space<vmem>> -> memref<1x25x80xi32, #tpu.memory_space<vmem>>
        %dma_start3A_278 = tpu.memref_squeeze %dma_start3A_277 : memref<1x25x80xi32, #tpu.memory_space<vmem>> -> memref<25x80xi32, #tpu.memory_space<vmem>>
        %dma_start3A_279 = arith.constant 0 : i32
        %dma_start3A_280 = arith.constant 0 : i32
        %dma_start3A_281 = tpu.memref_slice %arg4[%add3A, %add3A_274, %dma_start3A_279, %dma_start3A_280] : memref<32x5x25x80xi32, #tpu.memory_space<hbm>> -> memref<1x1x25x80xi32, #tpu.memory_space<hbm>>
        %dma_start3A_282 = tpu.memref_squeeze %dma_start3A_281 : memref<1x1x25x80xi32, #tpu.memory_space<hbm>> -> memref<25x80xi32, #tpu.memory_space<hbm>>
        %dma_start3A_283 = tpu.memref_slice %arg12[%sub3A_161] : memref<2x!tpu.dma_semaphore, #tpu.memory_space<semaphore_mem>> -> memref<1x!tpu.dma_semaphore, #tpu.memory_space<semaphore_mem>>
        %dma_start3A_284 = tpu.memref_squeeze %dma_start3A_283 : memref<1x!tpu.dma_semaphore, #tpu.memory_space<semaphore_mem>> -> memref<!tpu.dma_semaphore, #tpu.memory_space<semaphore_mem>>
        %dma_start3A_285 = arith.constant 0 : i32
        %dma_start3A_286 = arith.constant 0 : i32
        %dma_start3A_287 = tpu.memref_slice %arg8[%sub3A_161, %dma_start3A_285, %dma_start3A_286] : memref<2x25x80xi32, #tpu.memory_space<vmem>> -> memref<1x25x80xi32, #tpu.memory_space<vmem>>
        %dma_start3A_288 = tpu.memref_squeeze %dma_start3A_287 : memref<1x25x80xi32, #tpu.memory_space<vmem>> -> memref<25x80xi32, #tpu.memory_space<vmem>>
        %dma_start3A_289 = arith.constant 0 : i32
        %dma_start3A_290 = arith.constant 0 : i32
        %dma_start3A_291 = tpu.memref_slice %arg4[%add3A, %add3A_274, %dma_start3A_289, %dma_start3A_290] : memref<32x5x25x80xi32, #tpu.memory_space<hbm>> -> memref<1x1x25x80xi32, #tpu.memory_space<hbm>>
        %dma_start3A_292 = tpu.memref_squeeze %dma_start3A_291 : memref<1x1x25x80xi32, #tpu.memory_space<hbm>> -> memref<25x80xi32, #tpu.memory_space<hbm>>
        tpu.enqueue_dma source(%dma_start3A_292 : memref<25x80xi32, #tpu.memory_space<hbm>>) target(%dma_start3A_288 : memref<25x80xi32, #tpu.memory_space<vmem>>) target_semaphore(%dma_start3A_284 : memref<!tpu.dma_semaphore, #tpu.memory_space<semaphore_mem>>)
      } else {
      }
      %eq3A_211 = arith.constant 24 : i32
      %eq3A_212 = arith.cmpi eq, %sub3A_157, %eq3A_211 : i32
      %add3A_213 = arith.constant 1 : i32
      %add3A_214 = arith.addi %scan3A_133, %add3A_213 : i32
      %lt3A_215 = arith.constant 125 : i32
      %lt3A_216 = arith.cmpi slt, %add3A_214, %lt3A_215 : i32
      %and3A_217 = arith.andi %eq3A_212, %lt3A_216 : i1
      %convert_element_type3A_218 = arith.extui %and3A_217 : i1 to i32
      %cond3A_219 = arith.constant 0 : i32
      %cond3A_220 = arith.cmpi ne, %convert_element_type3A_218, %cond3A_219 : i32
      scf.if %cond3A_220 {
        %add3A_253 = arith.constant 1 : i32
        %add3A_254 = arith.addi %select_n3A, %add3A_253 : i32
        %dma_wait3A_255 = arith.constant 0 : i32
        %dma_wait3A_256 = arith.constant 0 : i32
        %dma_wait3A_257 = tpu.memref_slice %arg7[%sub3A_161, %dma_wait3A_255, %dma_wait3A_256] : memref<2x25x80xi32, #tpu.memory_space<vmem>> -> memref<1x25x80xi32, #tpu.memory_space<vmem>>
        %dma_wait3A_258 = tpu.memref_squeeze %dma_wait3A_257 : memref<1x25x80xi32, #tpu.memory_space<vmem>> -> memref<25x80xi32, #tpu.memory_space<vmem>>
        %dma_wait3A_259 = arith.constant 0 : i32
        %dma_wait3A_260 = arith.constant 0 : i32
        %dma_wait3A_261 = tpu.memref_slice %arg3[%add3A, %add3A_254, %dma_wait3A_259, %dma_wait3A_260] : memref<32x5x25x80xi32, #tpu.memory_space<hbm>> -> memref<1x1x25x80xi32, #tpu.memory_space<hbm>>
        %dma_wait3A_262 = tpu.memref_squeeze %dma_wait3A_261 : memref<1x1x25x80xi32, #tpu.memory_space<hbm>> -> memref<25x80xi32, #tpu.memory_space<hbm>>
        %dma_wait3A_263 = tpu.memref_slice %arg12[%sub3A_161] : memref<2x!tpu.dma_semaphore, #tpu.memory_space<semaphore_mem>> -> memref<1x!tpu.dma_semaphore, #tpu.memory_space<semaphore_mem>>
        %dma_wait3A_264 = tpu.memref_squeeze %dma_wait3A_263 : memref<1x!tpu.dma_semaphore, #tpu.memory_space<semaphore_mem>> -> memref<!tpu.dma_semaphore, #tpu.memory_space<semaphore_mem>>
        %dma_wait3A_265 = arith.constant 0 : i32
        %dma_wait3A_266 = arith.constant 0 : i32
        %dma_wait3A_267 = tpu.memref_slice %arg7[%sub3A_161, %dma_wait3A_265, %dma_wait3A_266] : memref<2x25x80xi32, #tpu.memory_space<vmem>> -> memref<1x25x80xi32, #tpu.memory_space<vmem>>
        %dma_wait3A_268 = tpu.memref_squeeze %dma_wait3A_267 : memref<1x25x80xi32, #tpu.memory_space<vmem>> -> memref<25x80xi32, #tpu.memory_space<vmem>>
        %dma_wait3A_269 = arith.constant 0 : i32
        %dma_wait3A_270 = arith.constant 0 : i32
        %dma_wait3A_271 = tpu.memref_slice %arg3[%add3A, %add3A_254, %dma_wait3A_269, %dma_wait3A_270] : memref<32x5x25x80xi32, #tpu.memory_space<hbm>> -> memref<1x1x25x80xi32, #tpu.memory_space<hbm>>
        %dma_wait3A_272 = tpu.memref_squeeze %dma_wait3A_271 : memref<1x1x25x80xi32, #tpu.memory_space<hbm>> -> memref<25x80xi32, #tpu.memory_space<hbm>>
        tpu.wait_dma2 semaphore(%dma_wait3A_264 : memref<!tpu.dma_semaphore, #tpu.memory_space<semaphore_mem>>) src(%dma_wait3A_272 : memref<25x80xi32, #tpu.memory_space<hbm>>) dst(%dma_wait3A_268 : memref<25x80xi32, #tpu.memory_space<vmem>>)
        %add3A_273 = arith.constant 1 : i32
        %add3A_274 = arith.addi %select_n3A, %add3A_273 : i32
        %dma_wait3A_275 = arith.constant 0 : i32
        %dma_wait3A_276 = arith.constant 0 : i32
        %dma_wait3A_277 = tpu.memref_slice %arg8[%sub3A_161, %dma_wait3A_275, %dma_wait3A_276] : memref<2x25x80xi32, #tpu.memory_space<vmem>> -> memref<1x25x80xi32, #tpu.memory_space<vmem>>
        %dma_wait3A_278 = tpu.memref_squeeze %dma_wait3A_277 : memref<1x25x80xi32, #tpu.memory_space<vmem>> -> memref<25x80xi32, #tpu.memory_space<vmem>>
        %dma_wait3A_279 = arith.constant 0 : i32
        %dma_wait3A_280 = arith.constant 0 : i32
        %dma_wait3A_281 = tpu.memref_slice %arg4[%add3A, %add3A_274, %dma_wait3A_279, %dma_wait3A_280] : memref<32x5x25x80xi32, #tpu.memory_space<hbm>> -> memref<1x1x25x80xi32, #tpu.memory_space<hbm>>
        %dma_wait3A_282 = tpu.memref_squeeze %dma_wait3A_281 : memref<1x1x25x80xi32, #tpu.memory_space<hbm>> -> memref<25x80xi32, #tpu.memory_space<hbm>>
        %dma_wait3A_283 = tpu.memref_slice %arg12[%sub3A_161] : memref<2x!tpu.dma_semaphore, #tpu.memory_space<semaphore_mem>> -> memref<1x!tpu.dma_semaphore, #tpu.memory_space<semaphore_mem>>
        %dma_wait3A_284 = tpu.memref_squeeze %dma_wait3A_283 : memref<1x!tpu.dma_semaphore, #tpu.memory_space<semaphore_mem>> -> memref<!tpu.dma_semaphore, #tpu.memory_space<semaphore_mem>>
        %dma_wait3A_285 = arith.constant 0 : i32
        %dma_wait3A_286 = arith.constant 0 : i32
        %dma_wait3A_287 = tpu.memref_slice %arg8[%sub3A_161, %dma_wait3A_285, %dma_wait3A_286] : memref<2x25x80xi32, #tpu.memory_space<vmem>> -> memref<1x25x80xi32, #tpu.memory_space<vmem>>
        %dma_wait3A_288 = tpu.memref_squeeze %dma_wait3A_287 : memref<1x25x80xi32, #tpu.memory_space<vmem>> -> memref<25x80xi32, #tpu.memory_space<vmem>>
        %dma_wait3A_289 = arith.constant 0 : i32
        %dma_wait3A_290 = arith.constant 0 : i32
        %dma_wait3A_291 = tpu.memref_slice %arg4[%add3A, %add3A_274, %dma_wait3A_289, %dma_wait3A_290] : memref<32x5x25x80xi32, #tpu.memory_space<hbm>> -> memref<1x1x25x80xi32, #tpu.memory_space<hbm>>
        %dma_wait3A_292 = tpu.memref_squeeze %dma_wait3A_291 : memref<1x1x25x80xi32, #tpu.memory_space<hbm>> -> memref<25x80xi32, #tpu.memory_space<hbm>>
        tpu.wait_dma2 semaphore(%dma_wait3A_284 : memref<!tpu.dma_semaphore, #tpu.memory_space<semaphore_mem>>) src(%dma_wait3A_292 : memref<25x80xi32, #tpu.memory_space<hbm>>) dst(%dma_wait3A_288 : memref<25x80xi32, #tpu.memory_space<vmem>>)
      } else {
      }
      %add3A_221 = arith.constant 1 : i32
      %add3A_222 = arith.addi %scan3A_133, %add3A_221 : i32
      %lt3A_223 = arith.constant 125 : i32
      %lt3A_224 = arith.cmpi slt, %add3A_222, %lt3A_223 : i32
      %convert_element_type3A_225 = arith.extui %lt3A_224 : i1 to i32
      %cond3A_226 = arith.constant 0 : i32
      %cond3A_227 = arith.cmpi ne, %convert_element_type3A_225, %cond3A_226 : i32
      scf.if %cond3A_227 {
        %add3A_253 = arith.constant 1 : i32
        %add3A_254 = arith.addi %scan3A_133, %add3A_253 : i32
        %jit3A_255 = arith.constant 25 : i32
        %div3A_256 = arith.divsi %add3A_254, %jit3A_255 : i32
        %sign3A_257 = arith.constant 0 : i32
        %sign3A_258 = arith.cmpi sgt, %add3A_254, %sign3A_257 : i32
        %sign3A_259 = arith.extui %sign3A_258 : i1 to i32
        %sign3A_260 = arith.constant 0 : i32
        %sign3A_261 = arith.cmpi slt, %add3A_254, %sign3A_260 : i32
        %sign3A_262 = arith.extui %sign3A_261 : i1 to i32
        %sign3A_263 = arith.subi %sign3A_259, %sign3A_262 : i32
        %sign3A_264 = arith.constant 0 : i32
        %sign3A_265 = arith.cmpi sgt, %jit3A_255, %sign3A_264 : i32
        %sign3A_266 = arith.extui %sign3A_265 : i1 to i32
        %sign3A_267 = arith.constant 0 : i32
        %sign3A_268 = arith.cmpi slt, %jit3A_255, %sign3A_267 : i32
        %sign3A_269 = arith.extui %sign3A_268 : i1 to i32
        %sign3A_270 = arith.subi %sign3A_266, %sign3A_269 : i32
        %ne3A_271 = arith.cmpi ne, %sign3A_263, %sign3A_270 : i32
        %rem3A_272 = arith.remsi %add3A_254, %jit3A_255 : i32
        %ne3A_273 = arith.constant 0 : i32
        %ne3A_274 = arith.cmpi ne, %rem3A_272, %ne3A_273 : i32
        %and3A_275 = arith.andi %ne3A_271, %ne3A_274 : i1
        %sub3A_276 = arith.constant 1 : i32
        %sub3A_277 = arith.subi %div3A_256, %sub3A_276 : i32
        %select_n3A_278 = arith.select %and3A_275, %sub3A_277, %div3A_256 : i32
        %rem3A_279 = arith.constant 2 : i32
        %rem3A_280 = arith.remsi %select_n3A_278, %rem3A_279 : i32
        %mul3A_281 = arith.constant 25 : i32
        %mul3A_282 = arith.muli %select_n3A_278, %mul3A_281 : i32
        %sub3A_283 = arith.subi %add3A_254, %mul3A_282 : i32
        %dma_start3A_284 = arith.constant 0 : i32
        %dma_start3A_285 = arith.constant 0 : i32
        %dma_start3A_286 = tpu.memref_slice %arg9[%sub3A_136, %dma_start3A_284, %dma_start3A_285] : memref<2x80x128xf32, #tpu.memory_space<vmem>> -> memref<1x80x128xf32, #tpu.memory_space<vmem>>
        %dma_start3A_287 = tpu.memref_squeeze %dma_start3A_286 : memref<1x80x128xf32, #tpu.memory_space<vmem>> -> memref<80x128xf32, #tpu.memory_space<vmem>>
        %dma_start3A_288 = arith.constant 0 : i32
        %dma_start3A_289 = tpu.memref_slice %arg7[%rem3A_280, %sub3A_283, %dma_start3A_288] : memref<2x25x80xi32, #tpu.memory_space<vmem>> -> memref<1x1x80xi32, #tpu.memory_space<vmem>>
        %dma_start3A_290 = tpu.memref_squeeze %dma_start3A_289 : memref<1x1x80xi32, #tpu.memory_space<vmem>> -> memref<80xi32, #tpu.memory_space<vmem>>
        %dma_start3A_291 = arith.constant 0 : i32
        %dma_start3A_292 = arith.constant 0 : i32
        %dma_start3A_293 = tpu.memref_slice %arg2[%dma_start3A_291, %dma_start3A_292] : memref<10000x128xf32, #tpu.memory_space<hbm>> -> memref<10000x128xf32, #tpu.memory_space<hbm>>
        %dma_start3A_294 = tpu.memref_slice %arg10[%sub3A_136] : memref<2x!tpu.dma_semaphore, #tpu.memory_space<semaphore_mem>> -> memref<1x!tpu.dma_semaphore, #tpu.memory_space<semaphore_mem>>
        %dma_start3A_295 = tpu.memref_squeeze %dma_start3A_294 : memref<1x!tpu.dma_semaphore, #tpu.memory_space<semaphore_mem>> -> memref<!tpu.dma_semaphore, #tpu.memory_space<semaphore_mem>>
        tpu.enqueue_indirect_dma source(%dma_start3A_293 : memref<10000x128xf32, #tpu.memory_space<hbm>>) target(%dma_start3A_287 : memref<80x128xf32, #tpu.memory_space<vmem>>) offsets(%dma_start3A_290 : memref<80xi32, #tpu.memory_space<vmem>>) semaphore(%dma_start3A_295 : memref<!tpu.dma_semaphore, #tpu.memory_space<semaphore_mem>>)
      } else {
      }
      %dma_wait3A_228 = arith.constant 0 : i32
      %dma_wait3A_229 = arith.constant 0 : i32
      %dma_wait3A_230 = tpu.memref_slice %arg9[%rem3A_135, %dma_wait3A_228, %dma_wait3A_229] : memref<2x80x128xf32, #tpu.memory_space<vmem>> -> memref<1x80x128xf32, #tpu.memory_space<vmem>>
      %dma_wait3A_231 = tpu.memref_squeeze %dma_wait3A_230 : memref<1x80x128xf32, #tpu.memory_space<vmem>> -> memref<80x128xf32, #tpu.memory_space<vmem>>
      %dma_wait3A_232 = arith.constant 0 : i32
      %dma_wait3A_233 = tpu.memref_slice %arg7[%rem3A_187, %sub3A_190, %dma_wait3A_232] : memref<2x25x80xi32, #tpu.memory_space<vmem>> -> memref<1x1x80xi32, #tpu.memory_space<vmem>>
      %dma_wait3A_234 = tpu.memref_squeeze %dma_wait3A_233 : memref<1x1x80xi32, #tpu.memory_space<vmem>> -> memref<80xi32, #tpu.memory_space<vmem>>
      %dma_wait3A_235 = arith.constant 0 : i32
      %dma_wait3A_236 = arith.constant 0 : i32
      %dma_wait3A_237 = tpu.memref_slice %arg2[%dma_wait3A_235, %dma_wait3A_236] : memref<10000x128xf32, #tpu.memory_space<hbm>> -> memref<10000x128xf32, #tpu.memory_space<hbm>>
      %dma_wait3A_238 = tpu.memref_slice %arg10[%rem3A_135] : memref<2x!tpu.dma_semaphore, #tpu.memory_space<semaphore_mem>> -> memref<1x!tpu.dma_semaphore, #tpu.memory_space<semaphore_mem>>
      %dma_wait3A_239 = tpu.memref_squeeze %dma_wait3A_238 : memref<1x!tpu.dma_semaphore, #tpu.memory_space<semaphore_mem>> -> memref<!tpu.dma_semaphore, #tpu.memory_space<semaphore_mem>>
      tpu.wait_indirect_dma semaphore(%dma_wait3A_239 : memref<!tpu.dma_semaphore, #tpu.memory_space<semaphore_mem>>) src(%dma_wait3A_237 : memref<10000x128xf32, #tpu.memory_space<hbm>>) dst(%dma_wait3A_231 : memref<80x128xf32, #tpu.memory_space<vmem>>)
      %dma_start3A_240 = arith.constant 0 : i32
      %dma_start3A_241 = arith.constant 0 : i32
      %dma_start3A_242 = tpu.memref_slice %arg9[%rem3A_135, %dma_start3A_240, %dma_start3A_241] : memref<2x80x128xf32, #tpu.memory_space<vmem>> -> memref<1x80x128xf32, #tpu.memory_space<vmem>>
      %dma_start3A_243 = tpu.memref_squeeze %dma_start3A_242 : memref<1x80x128xf32, #tpu.memory_space<vmem>> -> memref<80x128xf32, #tpu.memory_space<vmem>>
      %dma_start3A_244 = arith.constant 0 : i32
      %dma_start3A_245 = tpu.memref_slice %arg8[%rem3A_187, %sub3A_190, %dma_start3A_244] : memref<2x25x80xi32, #tpu.memory_space<vmem>> -> memref<1x1x80xi32, #tpu.memory_space<vmem>>
      %dma_start3A_246 = tpu.memref_squeeze %dma_start3A_245 : memref<1x1x80xi32, #tpu.memory_space<vmem>> -> memref<80xi32, #tpu.memory_space<vmem>>
      %dma_start3A_247 = arith.constant 0 : i32
      %dma_start3A_248 = arith.constant 0 : i32
      %dma_start3A_249 = tpu.memref_slice %arg6[%dma_start3A_247, %dma_start3A_248] : memref<10008x128xf32, #tpu.memory_space<vmem_shared>> -> memref<10008x128xf32, #tpu.memory_space<vmem_shared>>
      %dma_start3A_250 = tpu.memref_slice %arg11[%rem3A_135] : memref<2x!tpu.dma_semaphore, #tpu.memory_space<semaphore_mem>> -> memref<1x!tpu.dma_semaphore, #tpu.memory_space<semaphore_mem>>
      %dma_start3A_251 = tpu.memref_squeeze %dma_start3A_250 : memref<1x!tpu.dma_semaphore, #tpu.memory_space<semaphore_mem>> -> memref<!tpu.dma_semaphore, #tpu.memory_space<semaphore_mem>>
      tpu.enqueue_indirect_dma source(%dma_start3A_243 : memref<80x128xf32, #tpu.memory_space<vmem>>) target(%dma_start3A_249 : memref<10008x128xf32, #tpu.memory_space<vmem_shared>>) offsets(%dma_start3A_246 : memref<80xi32, #tpu.memory_space<vmem>>) semaphore(%dma_start3A_251 : memref<!tpu.dma_semaphore, #tpu.memory_space<semaphore_mem>>) {add = true}
      %scan3A_252 = arith.constant 0 : i32
      scf.yield %scan3A_252 : i32
    }
    %scan3A_92 = arith.constant 125 : i32
    %dma_wait3A_93 = arith.constant 1 : i32
    %dma_wait3A_94 = arith.constant 0 : i32
    %dma_wait3A_95 = arith.constant 23 : i32
    %dma_wait3A_96 = arith.constant 1 : i32
    %dma_wait3A_97 = arith.constant 0 : i32
    %dma_wait3A_98 = arith.constant 0 : i32
    %dma_wait3A_99 = tpu.memref_slice %arg9[%dma_wait3A_93, %dma_wait3A_97, %dma_wait3A_98] : memref<2x80x128xf32, #tpu.memory_space<vmem>> -> memref<1x80x128xf32, #tpu.memory_space<vmem>>
    %dma_wait3A_100 = tpu.memref_squeeze %dma_wait3A_99 : memref<1x80x128xf32, #tpu.memory_space<vmem>> -> memref<80x128xf32, #tpu.memory_space<vmem>>
    %dma_wait3A_101 = arith.constant 0 : i32
    %dma_wait3A_102 = tpu.memref_slice %arg8[%dma_wait3A_94, %dma_wait3A_95, %dma_wait3A_101] : memref<2x25x80xi32, #tpu.memory_space<vmem>> -> memref<1x1x80xi32, #tpu.memory_space<vmem>>
    %dma_wait3A_103 = tpu.memref_squeeze %dma_wait3A_102 : memref<1x1x80xi32, #tpu.memory_space<vmem>> -> memref<80xi32, #tpu.memory_space<vmem>>
    %dma_wait3A_104 = arith.constant 0 : i32
    %dma_wait3A_105 = arith.constant 0 : i32
    %dma_wait3A_106 = tpu.memref_slice %arg6[%dma_wait3A_104, %dma_wait3A_105] : memref<10008x128xf32, #tpu.memory_space<vmem_shared>> -> memref<10008x128xf32, #tpu.memory_space<vmem_shared>>
    %dma_wait3A_107 = tpu.memref_slice %arg11[%dma_wait3A_96] : memref<2x!tpu.dma_semaphore, #tpu.memory_space<semaphore_mem>> -> memref<1x!tpu.dma_semaphore, #tpu.memory_space<semaphore_mem>>
    %dma_wait3A_108 = tpu.memref_squeeze %dma_wait3A_107 : memref<1x!tpu.dma_semaphore, #tpu.memory_space<semaphore_mem>> -> memref<!tpu.dma_semaphore, #tpu.memory_space<semaphore_mem>>
    tpu.wait_indirect_dma semaphore(%dma_wait3A_108 : memref<!tpu.dma_semaphore, #tpu.memory_space<semaphore_mem>>) src(%dma_wait3A_100 : memref<80x128xf32, #tpu.memory_space<vmem>>) dst(%dma_wait3A_106 : memref<10008x128xf32, #tpu.memory_space<vmem_shared>>)
    %dma_wait3A_109 = arith.constant 0 : i32
    %dma_wait3A_110 = arith.constant 0 : i32
    %dma_wait3A_111 = arith.constant 24 : i32
    %dma_wait3A_112 = arith.constant 0 : i32
    %dma_wait3A_113 = arith.constant 0 : i32
    %dma_wait3A_114 = arith.constant 0 : i32
    %dma_wait3A_115 = tpu.memref_slice %arg9[%dma_wait3A_109, %dma_wait3A_113, %dma_wait3A_114] : memref<2x80x128xf32, #tpu.memory_space<vmem>> -> memref<1x80x128xf32, #tpu.memory_space<vmem>>
    %dma_wait3A_116 = tpu.memref_squeeze %dma_wait3A_115 : memref<1x80x128xf32, #tpu.memory_space<vmem>> -> memref<80x128xf32, #tpu.memory_space<vmem>>
    %dma_wait3A_117 = arith.constant 0 : i32
    %dma_wait3A_118 = tpu.memref_slice %arg8[%dma_wait3A_110, %dma_wait3A_111, %dma_wait3A_117] : memref<2x25x80xi32, #tpu.memory_space<vmem>> -> memref<1x1x80xi32, #tpu.memory_space<vmem>>
    %dma_wait3A_119 = tpu.memref_squeeze %dma_wait3A_118 : memref<1x1x80xi32, #tpu.memory_space<vmem>> -> memref<80xi32, #tpu.memory_space<vmem>>
    %dma_wait3A_120 = arith.constant 0 : i32
    %dma_wait3A_121 = arith.constant 0 : i32
    %dma_wait3A_122 = tpu.memref_slice %arg6[%dma_wait3A_120, %dma_wait3A_121] : memref<10008x128xf32, #tpu.memory_space<vmem_shared>> -> memref<10008x128xf32, #tpu.memory_space<vmem_shared>>
    %dma_wait3A_123 = tpu.memref_slice %arg11[%dma_wait3A_112] : memref<2x!tpu.dma_semaphore, #tpu.memory_space<semaphore_mem>> -> memref<1x!tpu.dma_semaphore, #tpu.memory_space<semaphore_mem>>
    %dma_wait3A_124 = tpu.memref_squeeze %dma_wait3A_123 : memref<1x!tpu.dma_semaphore, #tpu.memory_space<semaphore_mem>> -> memref<!tpu.dma_semaphore, #tpu.memory_space<semaphore_mem>>
    tpu.wait_indirect_dma semaphore(%dma_wait3A_124 : memref<!tpu.dma_semaphore, #tpu.memory_space<semaphore_mem>>) src(%dma_wait3A_116 : memref<80x128xf32, #tpu.memory_space<vmem>>) dst(%dma_wait3A_122 : memref<10008x128xf32, #tpu.memory_space<vmem_shared>>)
    %barrier3A_125 = arith.constant 0 : index
    tpu.barrier barrier_id(%barrier3A_125)
    %mul3A_126 = arith.constant 624 : i32
    %mul3A_127 = arith.muli %arg1, %mul3A_126 : i32
    "tpu.region"() ({
      %run_scoped3A_133 = tpu.sem_alloc : memref<!tpu.dma_semaphore, #tpu.memory_space<semaphore_mem>>
      %dma_start3A_134 = arith.constant 0 : i32
      %dma_start3A_135 = tpu.memref_slice %arg5[%arg0, %mul3A_127, %dma_start3A_134] : memref<2x10000x128xf32, #tpu.memory_space<hbm>> -> memref<1x624x128xf32, #tpu.memory_space<hbm>>
      %dma_start3A_136 = tpu.memref_squeeze %dma_start3A_135 : memref<1x624x128xf32, #tpu.memory_space<hbm>> -> memref<624x128xf32, #tpu.memory_space<hbm>>
      %dma_start3A_137 = arith.constant 0 : i32
      %dma_start3A_138 = tpu.memref_slice %arg6[%mul3A_127, %dma_start3A_137] : memref<10008x128xf32, #tpu.memory_space<vmem_shared>> -> memref<624x128xf32, #tpu.memory_space<vmem_shared>>
      tpu.enqueue_dma source(%dma_start3A_138 : memref<624x128xf32, #tpu.memory_space<vmem_shared>>) target(%dma_start3A_136 : memref<624x128xf32, #tpu.memory_space<hbm>>) target_semaphore(%run_scoped3A_133 : memref<!tpu.dma_semaphore, #tpu.memory_space<semaphore_mem>>)
      %dma_wait3A_139 = arith.constant 0 : i32
      %dma_wait3A_140 = tpu.memref_slice %arg5[%arg0, %mul3A_127, %dma_wait3A_139] : memref<2x10000x128xf32, #tpu.memory_space<hbm>> -> memref<1x624x128xf32, #tpu.memory_space<hbm>>
      %dma_wait3A_141 = tpu.memref_squeeze %dma_wait3A_140 : memref<1x624x128xf32, #tpu.memory_space<hbm>> -> memref<624x128xf32, #tpu.memory_space<hbm>>
      %dma_wait3A_142 = arith.constant 0 : i32
      %dma_wait3A_143 = tpu.memref_slice %arg6[%mul3A_127, %dma_wait3A_142] : memref<10008x128xf32, #tpu.memory_space<vmem_shared>> -> memref<624x128xf32, #tpu.memory_space<vmem_shared>>
      tpu.wait_dma2 semaphore(%run_scoped3A_133 : memref<!tpu.dma_semaphore, #tpu.memory_space<semaphore_mem>>) src(%dma_wait3A_143 : memref<624x128xf32, #tpu.memory_space<vmem_shared>>) dst(%dma_wait3A_141 : memref<624x128xf32, #tpu.memory_space<hbm>>)
      tpu.yield
    }) : () -> ()
    %eq3A_128 = arith.constant 15 : i32
    %eq3A_129 = arith.cmpi eq, %arg1, %eq3A_128 : i32
    %convert_element_type3A_130 = arith.extui %eq3A_129 : i1 to i32
    %cond3A_131 = arith.constant 0 : i32
    %cond3A_132 = arith.cmpi ne, %convert_element_type3A_130, %cond3A_131 : i32
    scf.if %cond3A_132 {
      "tpu.region"() ({
        %run_scoped3A_133 = tpu.sem_alloc : memref<!tpu.dma_semaphore, #tpu.memory_space<semaphore_mem>>
        %dma_start3A_134 = arith.constant 9984 : i32
        %dma_start3A_135 = arith.constant 0 : i32
        %dma_start3A_136 = tpu.memref_slice %arg5[%arg0, %dma_start3A_134, %dma_start3A_135] : memref<2x10000x128xf32, #tpu.memory_space<hbm>> -> memref<1x16x128xf32, #tpu.memory_space<hbm>>
        %dma_start3A_137 = tpu.memref_squeeze %dma_start3A_136 : memref<1x16x128xf32, #tpu.memory_space<hbm>> -> memref<16x128xf32, #tpu.memory_space<hbm>>
        %dma_start3A_138 = arith.constant 9984 : i32
        %dma_start3A_139 = arith.constant 0 : i32
        %dma_start3A_140 = tpu.memref_slice %arg6[%dma_start3A_138, %dma_start3A_139] : memref<10008x128xf32, #tpu.memory_space<vmem_shared>> -> memref<16x128xf32, #tpu.memory_space<vmem_shared>>
        tpu.enqueue_dma source(%dma_start3A_140 : memref<16x128xf32, #tpu.memory_space<vmem_shared>>) target(%dma_start3A_137 : memref<16x128xf32, #tpu.memory_space<hbm>>) target_semaphore(%run_scoped3A_133 : memref<!tpu.dma_semaphore, #tpu.memory_space<semaphore_mem>>)
        %dma_wait3A_141 = arith.constant 9984 : i32
        %dma_wait3A_142 = arith.constant 0 : i32
        %dma_wait3A_143 = tpu.memref_slice %arg5[%arg0, %dma_wait3A_141, %dma_wait3A_142] : memref<2x10000x128xf32, #tpu.memory_space<hbm>> -> memref<1x16x128xf32, #tpu.memory_space<hbm>>
        %dma_wait3A_144 = tpu.memref_squeeze %dma_wait3A_143 : memref<1x16x128xf32, #tpu.memory_space<hbm>> -> memref<16x128xf32, #tpu.memory_space<hbm>>
        %dma_wait3A_145 = arith.constant 9984 : i32
        %dma_wait3A_146 = arith.constant 0 : i32
        %dma_wait3A_147 = tpu.memref_slice %arg6[%dma_wait3A_145, %dma_wait3A_146] : memref<10008x128xf32, #tpu.memory_space<vmem_shared>> -> memref<16x128xf32, #tpu.memory_space<vmem_shared>>
        tpu.wait_dma2 semaphore(%run_scoped3A_133 : memref<!tpu.dma_semaphore, #tpu.memory_space<semaphore_mem>>) src(%dma_wait3A_147 : memref<16x128xf32, #tpu.memory_space<vmem_shared>>) dst(%dma_wait3A_144 : memref<16x128xf32, #tpu.memory_space<hbm>>)
        tpu.yield
      }) : () -> ()
    } else {
    }
    return
  }
}

module attributes {stable_mosaic.version = 14 : i64} {
  func.func @body(%arg0: i32, %arg1: memref<2x1000x128xf32, #tpu.memory_space<vmem>>, %arg2: memref<128x128xf32, #tpu.memory_space<vmem>>, %arg3: memref<1000x128xf32, #tpu.memory_space<vmem>>) attributes {dimension_semantics = [#tpu.dimension_semantics<arbitrary>], iteration_bounds = array<i64: 10>, scalar_prefetch = 0 : i64, scratch_operands = 0 : i64, tpu.core_type = #tpu.core_type<tc>, window_params = [{transform_indices = @transform_0, window_bounds = array<i64: 2, 1000, 128>}, {pipeline_mode = #tpu.pipeline_mode<synchronous>, transform_indices = @transform_1, window_bounds = array<i64: 128, 128>}, {transform_indices = @transform_2, window_bounds = array<i64: 1000, 128>}]} {
    %get3A = arith.constant 0 : index
    %get3A_0 = arith.constant 0 : index
    %get3A_1 = arith.constant 0 : index
    %get3A_2 = vector.load %arg1[%get3A, %get3A_0, %get3A_1] : memref<2x1000x128xf32, #tpu.memory_space<vmem>>, vector<1x1000x128xf32>
    %get3A_3 = vector.shape_cast %get3A_2 : vector<1x1000x128xf32> to vector<1000x128xf32>
    %get3A_4 = arith.constant 1 : index
    %get3A_5 = arith.constant 0 : index
    %get3A_6 = arith.constant 0 : index
    %get3A_7 = vector.load %arg1[%get3A_4, %get3A_5, %get3A_6] : memref<2x1000x128xf32, #tpu.memory_space<vmem>>, vector<1x1000x128xf32>
    %get3A_8 = vector.shape_cast %get3A_7 : vector<1x1000x128xf32> to vector<1000x128xf32>
    %add3A = arith.addf %get3A_3, %get3A_8 : vector<1000x128xf32>
    %get3A_9 = arith.constant 0 : index
    %get3A_10 = arith.constant 0 : index
    %get3A_11 = vector.load %arg2[%get3A_9, %get3A_10] : memref<128x128xf32, #tpu.memory_space<vmem>>, vector<128x128xf32>
    %dot_general3A = arith.constant dense<0.000000e+00> : vector<1000x128xf32>
    %dot_general3A_12 = tpu.matmul %add3A, %get3A_11, %dot_general3A {dimension_numbers = #tpu.dot_dimension_numbers<[1], [1], [0], [0], [0, 0, 1, 0], [], []>, transpose_lhs_hint = false} : vector<1000x128xf32>, vector<128x128xf32>, vector<1000x128xf32> -> vector<1000x128xf32>
    %reduce_max3A = arith.constant dense<0xFF800000> : vector<1000xf32>
    %reduce_max3A_13 = vector.multi_reduction <maximumf>, %dot_general3A_12, %reduce_max3A [1] : vector<1000x128xf32> to vector<1000xf32>
    %broadcast_in_dim3A = vector.shape_cast %reduce_max3A_13 : vector<1000xf32> to vector<1000x1xf32>
    %sub3A = vector.broadcast %broadcast_in_dim3A : vector<1000x1xf32> to vector<1000x128xf32>
    %sub3A_14 = arith.subf %dot_general3A_12, %sub3A : vector<1000x128xf32>
    %exp3A = math.exp %sub3A_14 : vector<1000x128xf32>
    %reduce_sum3A = arith.constant dense<0.000000e+00> : vector<1000xf32>
    %reduce_sum3A_15 = vector.multi_reduction <add>, %exp3A, %reduce_sum3A [1] : vector<1000x128xf32> to vector<1000xf32>
    %broadcast_in_dim3A_16 = vector.shape_cast %reduce_sum3A_15 : vector<1000xf32> to vector<1000x1xf32>
    %log3A = math.log %broadcast_in_dim3A_16 : vector<1000x1xf32>
    %sub3A_17 = vector.broadcast %log3A : vector<1000x1xf32> to vector<1000x128xf32>
    %sub3A_18 = arith.subf %sub3A_14, %sub3A_17 : vector<1000x128xf32>
    %swap3A = arith.constant 0 : index
    %swap3A_19 = arith.constant 0 : index
    %swap3A_20 = vector.load %arg3[%swap3A, %swap3A_19] : memref<1000x128xf32, #tpu.memory_space<vmem>>, vector<1000x128xf32>
    tpu.vector_store %arg3[%swap3A, %swap3A_19], %sub3A_18 {strides = array<i32>} : memref<1000x128xf32, #tpu.memory_space<vmem>>, vector<1000x128xf32>,
    return
  }
  func.func @transform_0(%arg0: i32) -> (i32, i32, i32) {
    %c0_i32 = arith.constant 0 : i32
    %c0_i32_0 = arith.constant 0 : i32
    %c0_i32_1 = arith.constant 0 : i32
    return %c0_i32, %arg0, %c0_i32_0 : i32, i32, i32
  }
  func.func @transform_1(%arg0: i32) -> (i32, i32) {
    %c0_i32 = arith.constant 0 : i32
    %c0_i32_0 = arith.constant 0 : i32
    %c0_i32_1 = arith.constant 0 : i32
    return %c0_i32, %c0_i32_0 : i32, i32
  }
  func.func @transform_2(%arg0: i32) -> (i32, i32) {
    %c0_i32 = arith.constant 0 : i32
    %c0_i32_0 = arith.constant 0 : i32
    return %arg0, %c0_i32 : i32, i32
  }
}

module attributes {stable_mosaic.version = 14 : i64} {
  func.func @body(%arg0: i32, %arg1: memref<2x1000x128xf32, #tpu.memory_space<vmem>>, %arg2: memref<128x128xf32, #tpu.memory_space<vmem>>, %arg3: memref<1000x128xf32, #tpu.memory_space<vmem>>) attributes {dimension_semantics = [#tpu.dimension_semantics<arbitrary>], iteration_bounds = array<i64: 10>, scalar_prefetch = 0 : i64, scratch_operands = 0 : i64, tpu.core_type = #tpu.core_type<tc>, window_params = [{transform_indices = @transform_0, window_bounds = array<i64: 2, 1000, 128>}, {pipeline_mode = #tpu.pipeline_mode<synchronous>, transform_indices = @transform_1, window_bounds = array<i64: 128, 128>}, {transform_indices = @transform_2, window_bounds = array<i64: 1000, 128>}]} {
    %get3A = arith.constant 0 : index
    %get3A_0 = arith.constant 0 : index
    %get3A_1 = arith.constant 0 : index
    %get3A_2 = vector.load %arg1[%get3A, %get3A_0, %get3A_1] : memref<2x1000x128xf32, #tpu.memory_space<vmem>>, vector<1x1000x128xf32>
    %get3A_3 = vector.shape_cast %get3A_2 : vector<1x1000x128xf32> to vector<1000x128xf32>
    %get3A_4 = arith.constant 1 : index
    %get3A_5 = arith.constant 0 : index
    %get3A_6 = arith.constant 0 : index
    %get3A_7 = vector.load %arg1[%get3A_4, %get3A_5, %get3A_6] : memref<2x1000x128xf32, #tpu.memory_space<vmem>>, vector<1x1000x128xf32>
    %get3A_8 = vector.shape_cast %get3A_7 : vector<1x1000x128xf32> to vector<1000x128xf32>
    %add3A = arith.addf %get3A_3, %get3A_8 : vector<1000x128xf32>
    %get3A_9 = arith.constant 0 : index
    %get3A_10 = arith.constant 0 : index
    %get3A_11 = vector.load %arg2[%get3A_9, %get3A_10] : memref<128x128xf32, #tpu.memory_space<vmem>>, vector<128x128xf32>
    %dot_general3A = arith.constant dense<0.000000e+00> : vector<1000x128xf32>
    %dot_general3A_12 = tpu.matmul %add3A, %get3A_11, %dot_general3A {dimension_numbers = #tpu.dot_dimension_numbers<[1], [1], [0], [0], [0, 0, 1, 0], [], []>, transpose_lhs_hint = false} : vector<1000x128xf32>, vector<128x128xf32>, vector<1000x128xf32> -> vector<1000x128xf32>
    %max3A = arith.constant 0.000000e+00 : f32
    %max3A_13 = vector.broadcast %max3A : f32 to vector<1000x128xf32>
    %max3A_14 = arith.maximumf %dot_general3A_12, %max3A_13 : vector<1000x128xf32>
    %swap3A = arith.constant 0 : index
    %swap3A_15 = arith.constant 0 : index
    %swap3A_16 = vector.load %arg3[%swap3A, %swap3A_15] : memref<1000x128xf32, #tpu.memory_space<vmem>>, vector<1000x128xf32>
    tpu.vector_store %arg3[%swap3A, %swap3A_15], %max3A_14 {strides = array<i32>} : memref<1000x128xf32, #tpu.memory_space<vmem>>, vector<1000x128xf32>,
    return
  }
  func.func @transform_0(%arg0: i32) -> (i32, i32, i32) {
    %c0_i32 = arith.constant 0 : i32
    %c0_i32_0 = arith.constant 0 : i32
    %c0_i32_1 = arith.constant 0 : i32
    return %c0_i32, %arg0, %c0_i32_0 : i32, i32, i32
  }
  func.func @transform_1(%arg0: i32) -> (i32, i32) {
    %c0_i32 = arith.constant 0 : i32
    %c0_i32_0 = arith.constant 0 : i32
    %c0_i32_1 = arith.constant 0 : i32
    return %c0_i32, %c0_i32_0 : i32, i32
  }
  func.func @transform_2(%arg0: i32) -> (i32, i32) {
    %c0_i32 = arith.constant 0 : i32
    %c0_i32_0 = arith.constant 0 : i32
    return %arg0, %c0_i32 : i32, i32
  }
}

</mosaic_0001>

<sc_bundles>
// kernel: kernel.6.cloned.1.call-start
scs
__scs_entry_jumppad:
0x0: {  	(pc) =	sbr.rel $0x88, $3  }
0x1: {  	(tag) =	ssettag $0x0;
	lr =	simm.s32 $0x1  }
0x2: {  	[smem:$0x3F9D] =	sst lr;
	_ =	strace $0xD0000000  }
0x3: {  	_ = 	snop  }
0x4: {  	_ = 	snop  }
0x5: {  	_ = 	snop  }
0x6: {  	_ = 	snop  }
0x7: {  	_ = 	snop  }
__scs_overlays_trampoline_lowered:
0x8: {  	[smem:$0x3FAC] =	sst s0  }
0x9: {  	[smem:$0x3FAD] =	sst s1  }
0xa: {  	[smem:$0x3FAE] =	sst s2  }
0xb: {  	[smem:$0x3FAF] =	sst s3  }
0xc: {  	[smem:$0x3FB0] =	sst s4  }
0xd: {  	[smem:$0x3FB1] =	sst s5  }
0xe: {  	[smem:$0x3FB2] =	sst s6  }
0xf: {  	[smem:$0x3FB3] =	sst s7  }
0x10: {  	[smem:$0x3FB4] =	sst s8  }
0x11: {  	[smem:$0x3FB5] =	sst s9;
	s0 =	simm.s32 @!p0 $0x0  }
0x12: {  	s1 =	sld [smem:$0x3F9B];
	s0 =	simm.s32 @p0 $0x1  }
0x13: {  	[smem:$0x3FB6] =	sst s0;
	s0 =	simm.s32 @!p1 $0x0  }
0x14: {  	s2 =	sld [smem:$0x3F9A];
	s0 =	simm.s32 @p1 $0x1  }
0x15: {  	[smem:$0x3FB7] =	sst s0;
	s0 =	simm.s32 @!p2 $0x0  }
0x16: {  	s3 =	sld [smem:$0x3FDB];
	s0 =	simm.s32 @p2 $0x1  }
0x17: {  	s4 =	simm.s32 $0x1BF5;
	[smem:$0x3FB9] =	sst s0  }
0x18: {  	s0 =	sld [smem:$0x3F9C];
	_ =	swait.ge [sflag:s4], $0x0  }
0x19: {  	s7 =	sld [smem:$0x3F9D]  }
0x1a: {  	s8 =	sadd.s32 $0xFFFFE003, lr  }
0x1b: {  	s9 =	sadd.s32 $0xFFFFFEF7, lr;
	s5 =	simm.s32 $0xFFFFFFFF;
	p2 =	slt.u32 s8, $0xFFFFF086  }
0x1c: {  	p1 =	slt.u32 s9, $0xF7A;
	s5 =	simm.s32 @!p2 $0x0  }
0x1d: {  	s5 =	simm.s32 @p1 $0x1;
	p0 =	seq.s32 s7, s2  }
0x1e: {  	s7 =	smul.u32 @!p0 $0xF7A, s2;
	p2 =	seq.s32 @!p0 s5, $0x0  }
0x1f: {  	s9 =	smul.u32 $0xF7A, s1;
	s8 =	simm.s32 @!p0 $0x1BF5;
	p2 =	por !p2, p0  }
0x20: {  	[sflag:s8] =	ssyncset.s32 @!p0 $0xFFFFF086;
	s6 =	sadd.s32 @!p0 s3, s7;
	s7 =	simm.s32 @!p0 $0x108  }
0x21: {  	s3 =	sadd.s32 s3, s9;
	s6 =	sadd.s32 @!p0 $0x88, s6;
	s7 =	simm.s32 @p2 $0x1082  }
0x22: {  	[simem:s7], [sflag:s8] =	dma.local @!p0 [hbm:s6], $0xF7A  }
0x23: {  	s9 =	sor.u32 $0xD0000000, s2;
	s6 =	simm.s32 $0x108;
	_ =	swait.ge @!p0 [sflag:s8], $0x0  }
0x24: {  	s3 =	sadd.s32 $0x88, s3;
	s6 =	simm.s32 @!p1 $0x1082;
	[sflag:s4] =	ssyncset.s32 $0xFFFFF086  }
0x25: {  	[simem:s6], [sflag:s4] =	dma.local [hbm:s3], $0xF7A  }
0x26: {  	[smem:$0x3F9D] =	sst s1;
	(tag) =	ssettag s2;
	_ =	strace s9  }
0x27: {  	s1 =	sld [smem:$0x3FAD]  }
0x28: {  	s2 =	sld [smem:$0x3FAE]  }
0x29: {  	s4 =	sld [smem:$0x3FB0]  }
0x2a: {  	p0 =	seq.s32 s5, $0x0;
	s5 =	sld [smem:$0x3FB1]  }
0x2b: {  	s6 =	sld [smem:$0x3FB2]  }
0x2c: {  	s7 =	sld [smem:$0x3FB3]  }
0x2d: {  	s3 =	simm.s32 $0x108;
	s8 =	sld [smem:$0x3FB4]  }
0x2e: {  	s3 =	simm.s32 @!p0 $0x1082;
	s9 =	sld [smem:$0x3FB5]  }
0x2f: {  	lr =	sadd.s32 s0, s3;
	s0 =	sld [smem:$0x3FAC]  }
0x30: {  	s3 =	sld [smem:$0x3FAF]  }
0x31: {  	[smem:$0x3FB8] =	sst s10  }
0x32: {  	s10 =	sld [smem:$0x3FB6];
	_ =	sdelay $0x3  }
0x33: {  	p0 =	seq.s32 s10, $0x1;
	s10 =	sld [smem:$0x3FB8];
	_ =	sdelay $0x3  }
0x34: {  	[smem:$0x3FB8] =	sst s10  }
0x35: {  	s10 =	sld [smem:$0x3FB7];
	_ =	sdelay $0x3  }
0x36: {  	p1 =	seq.s32 s10, $0x1;
	s10 =	sld [smem:$0x3FB8];
	_ =	sdelay $0x3  }
0x37: {  	[smem:$0x3FB8] =	sst s10  }
0x38: {  	s10 =	sld [smem:$0x3FB9]  }
0x39: {  	_ = 	snop;
	(pc) =	sbr.ind lr, $3  }
0x3a: {  	_ = 	snop  }
0x3b: {  	_ = 	snop  }
0x3c: {  	p2 =	seq.s32 s10, $0x1;
	s10 =	sld [smem:$0x3FB8]  }
0x3d: {  	_ =	shalt  }
0x3e: {  	_ =	shalt  }
0x3f: {  	_ =	shalt  }
0x40: {  	_ =	shalt  }
0x41: {  	_ =	shalt  }
0x42: {  	_ =	shalt  }
0x43: {  	_ =	shalt  }
0x44: {  	_ =	shalt  }
0x45: {  	_ =	shalt  }
0x46: {  	_ =	shalt  }
0x47: {  	_ =	shalt  }
0x48: {  	_ =	shalt  }
0x49: {  	_ =	shalt  }
0x4a: {  	_ =	shalt  }
0x4b: {  	_ =	shalt  }
0x4c: {  	_ =	shalt  }
0x4d: {  	_ =	shalt  }
0x4e: {  	_ =	shalt  }
0x4f: {  	_ =	shalt  }
0x50: {  	_ =	shalt  }
0x51: {  	_ =	shalt  }
0x52: {  	_ =	shalt  }
0x53: {  	_ =	shalt  }
0x54: {  	_ =	shalt  }
0x55: {  	_ =	shalt  }
0x56: {  	_ =	shalt  }
0x57: {  	_ =	shalt  }
0x58: {  	_ =	shalt  }
0x59: {  	_ =	shalt  }
0x5a: {  	_ =	shalt  }
0x5b: {  	_ =	shalt  }
0x5c: {  	_ =	shalt  }
0x5d: {  	_ =	shalt  }
0x5e: {  	_ =	shalt  }
0x5f: {  	_ =	shalt  }
0x60: {  	_ =	shalt  }
0x61: {  	_ =	shalt  }
0x62: {  	_ =	shalt  }
0x63: {  	_ =	shalt  }
0x64: {  	_ =	shalt  }
0x65: {  	_ =	shalt  }
0x66: {  	_ =	shalt  }
0x67: {  	_ =	shalt  }
0x68: {  	_ =	shalt  }
0x69: {  	_ =	shalt  }
0x6a: {  	_ =	shalt  }
0x6b: {  	_ =	shalt  }
0x6c: {  	_ =	shalt  }
0x6d: {  	_ =	shalt  }
0x6e: {  	_ =	shalt  }
0x6f: {  	_ =	shalt  }
0x70: {  	_ =	shalt  }
0x71: {  	_ =	shalt  }
0x72: {  	_ =	shalt  }
0x73: {  	_ =	shalt  }
0x74: {  	_ =	shalt  }
0x75: {  	_ =	shalt  }
0x76: {  	_ =	shalt  }
0x77: {  	_ =	shalt  }
0x78: {  	_ =	shalt  }
0x79: {  	_ =	shalt  }
0x7a: {  	_ =	shalt  }
0x7b: {  	_ =	shalt  }
0x7c: {  	_ =	shalt  }
0x7d: {  	_ =	shalt  }
0x7e: {  	_ =	shalt  }
0x7f: {  	_ =	shalt  }
0x80: {  	_ =	shalt  }
0x81: {  	_ =	shalt  }
0x82: {  	_ =	shalt  }
0x83: {  	_ =	shalt  }
0x84: {  	_ =	shalt  }
0x85: {  	_ =	shalt  }
0x86: {  	_ =	shalt  }
0x87: {  	_ =	shalt  }
.Lfunc_end0:
.L_simem_size_0:
called_computation_lowered:
.L_overlay_start_0:
0x88: {  	s2 =	sld [smem:$0x3FD9]  }
0x89: {  	s3 =	sld [smem:$0x3FFE];
	_ =	sdelay $0x1  }
0x8a: {  	s1 =	srdreg.scid  }
0x8b: {  	s0 =	sand.u32 $0x1, s1  }
0x8c: {  	s17 =	sshll.u32 s0, $0xA;
	s2 =	sadd.s32 s3, s2  }
0x8d: {  	s2 =	sadd.s32 s2, s17  }
0x8e: {  	[smem:$0x3FC4] =	sst s2  }
0x8f: {  	_ = 	snop  }
0x90: {  	s2 =	sld [smem:$0x3FC9];
	(tm) =	ssettm $0x1  }
0x91: {  	s18 =	sld [smem:$0x3FFB];
	_ =	sdelay $0x3  }
0x92: {  	_ =	strace s18  }
0x93: {  	s3 =	sld [smem:$0x3FFC];
	_ =	sdelay $0x3  }
0x94: {  	_ =	strace s3  }
0x95: {  	s3 =	sld [smem:$0x3FFD];
	_ =	sdelay $0x3  }
0x96: {  	_ =	strace s3  }
0x97: {  	_ =	strace $0x8FFFFFFF  }
0x98: {  	s19 =	sld [smem:$0x3FDB];
	_ =	sdelay $0x1  }
0x99: {  	s4 =	simm.s32 $_scs_section_size  }
0x9a: {  	s5 =	simm.s32 $_size__tile_overlayer_lowered;
	s6 =	simm.s32 $_tile_overlayer_lowered  }
0x9b: {  	s22 =	simm.s32 $0x1BFF;
	s21 =	sshll.u32 s6, $0x1;
	s3 =	sadd.s32 s4, s19  }
0x9c: {  	s7 =	simm.s32 $0x0;
	s20 =	sshll.u32 s5, $0x1;
	s5 =	sadd.s32 s21, s3  }
0x9d: {  	[timem:s7], [sflag:s22] =	dma.local [hbm:s5], s20  }
0x9e: {  	_ =	swait.ge [sflag:s22], s20  }
0x9f: {  	s4 =	ssub.s32 $0x0, s20;
	[sflag:s22] =	ssyncset.done $0x0  }
0xa0: {  	[sflag:s22] =	ssyncadd.s32 s4;
	_ =	sdelay $0x1  }
0xa1: {  	s23 =	simm.s32 $0x1B8B  }
0xa2: {  	_ =	swait.ge [sflag:s23], $0x1  }
0xa3: {  	[sflag:s23] =	ssyncset.done $0x0  }
0xa4: {  	s25 =	simm.s32 $0x1B8E;
	s24 =	sld [smem:$0x3FFE];
	[sflag:s23] =	ssyncadd.s32 $0xFFFFFFFF  }
0xa5: {  	s26 =	simm.s32 $execute0_lowered;
	[smem:$0x3FD2] =	sst s25  }
0xa6: {  	s5 =	sshll.u32 s26, $0x1;
	_ =	strace $0x80000046;
	[dreg:$0x1] =	wrdreg $0xFFFFFFFF  }
0xa7: {  	s28 =	simm.s32 $_size_execute0_lowered;
	s3 =	sadd.s32 s3, s5;
	[dreg:$0x0] =	wrdreg $0x0  }
0xa8: {  	s5 =	sshll.u32 s28, $0x1;
	[dreg:$0x2] =	wrdreg s3  }
0xa9: {  	[dreg:$0x3] =	wrdreg s5  }
0xaa: {  	[dreg:$0x4] =	wrdreg $0xC0  }
0xab: {  	_ =	task [dreg:s7], $0x5FFFF  }
0xac: {  	[dreg:$0x1] =	wrdreg $0xFFFFFFFF  }
0xad: {  	[dreg:$0x0] =	wrdreg $0x60  }
0xae: {  	[dreg:$0x2] =	wrdreg s2  }
0xaf: {  	[dreg:$0x3] =	wrdreg s24  }
0xb0: {  	[dreg:$0x4] =	wrdreg $0x0  }
0xb1: {  	[dreg:$0x5] =	wrdreg $0x9  }
0xb2: {  	_ =	task.clear_ibuf [dreg:s7], $0x6FFFF;
	_ =	strace $0x90000046  }
0xb3: {  	s29 =	simm.s32 $0x9;
	_ =	strace $0x80000048  }
0xb4: {  	_ =	swait.ge [sflag:s29], $0x1  }
0xb5: {  	[sflag:s29] =	ssyncadd.s32 $0xFFFFFFFF  }
0xb6: {  	_ =	strace $0x90000048  }
0xb7: {  	_ =	sfence  }
0xb8: {  	s30 =	sld [smem:$0x0];
	_ =	sdelay $0x2  }
0xb9: {  	s31 =	sshll.u32 s1, $0xD;
	s1 =	sshrl.u32 s1, $0x2  }
0xba: {  	s3 =	sand.u32 $0x4000, s31;
	s1 =	sadd.s32 s1, s30  }
0xbb: {  	s0 =	sor.u32 s3, s0;
	s1 =	sshll.u32 s1, $0x11  }
0xbc: {  	s0 =	sor.u32 s1, s0  }
0xbd: {  	s0 =	sadd.s32 $0x8F2B, s0  }
0xbe: {  	[sflag:s0] =	ssyncadd.remote.s32 $0x1  }
0xbf: {  	_ =	sfence.sel $0xFFFF  }
0xc0: {  	[dreg:$0x0] =	wrdreg $0xFFFFFFFF;
	(pc) =	sbr.abs _section_cstart, $3  }
0xc1: {  	[dreg:$0x1] =	wrdreg $0xFFFFFFFF  }
0xc2: {  	_ =	task.clear_ibuf [dreg:s7], $0x2FFFF;
	_ =	strace $0x9FFFFFFF  }
0xc3: {  	(tm) =	ssettm $0x7FFFFFFF  }
tec
execute0_lowered:
.L_overlay_start_1:
0x0: {  	(tag) =	ssettag $0x1  }
0x1: {  	s1 =	rddreg [dreg:$0x0]  }
0x2: {  	s0 =	rddreg [dreg:$0x1]  }
0x3: {  	s2 =	rddreg [dreg:$0x2]  }
0x4: {  	s3 =	simm.s32 $0x0;
	s4 =	srdreg.scid;
	s13 =	stileid.u32  }
0x5: {  	s28 =	simm.s32 $0x4;
	s29 =	simm.s32 $0x0;
	[smem:$0x7FF] =	sst s3  }
0x6: {  	s4 =	sand.u32 $0x1, s4;
	s5 =	sadd.s32 $0x14A00, s0;
	s8 =	smul.u32 $0x4E000, s13  }
0x7: {  	s6 =	sadd.s32 $0xA00, s0;
	s0 =	sadd.s32 $0x28A00, s0;
	s22 =	smul.u32 $0x13800, s13  }
0x8: {  	p0 =	sne.s32 s13, $0xF;
	_ =	strace $0x80000047;
	s7 =	sshll.u32 s4, $0x4  }
0x9: {  	s9 =	ssub.s32 $0x2, s4;
	s4 =	smul.u32 $0x138800, s4;
	s7 =	sor.u32 s13, s7  }
0xa: {  	s21 =	sshrl.u32 s9, $0x1;
	s8 =	sshrl.u32 s8, $0x2;
	s10 =	smul.u32 $0x5000, s7  }
0xb: {  	s11 =	ssub.s32 s9, s21;
	s7 =	sadd.s32 s8, s2;
	s9 =	sadd.s32 $0x138000, s2  }
0xc: {  	s8 =	sadd.s32 s22, s4;
	s4 =	sshrl.u32 s4, $0x3;
	s22 =	simm.s32 $0x178C0  }
0xd: {  	s23 =	sadd.s32 $0x11800, s7;
	s8 =	sshrl.u32 s8, $0x3;
	s4 =	sadd.s32 s0, s4  }
0xe: {  	s25 =	smax.u32 s11, $0x1;
	s26 =	sadd.s32 $0x2800, s7;
	[dreg:$0x4] =	wrdreg s23  }
0xf: {  	s30 =	sadd.s32 $0x5000, s7;
	s31 =	sadd.s32 $0x7800, s7;
	[dreg:$0x9] =	wrdreg s25  }
0x10: {  	s19 =	sadd.s32 $0xA000, s7;
	s20 =	sadd.s32 $0xC800, s7;
	[dreg:$0xa] =	wrdreg s26  }
0x11: {  	s21 =	sadd.s32 $0xF000, s7;
	s12 =	sshrl.u32 s10, $0x3;
	[dreg:$0xb] =	wrdreg s30  }
.Ltmp0:
0x12: {  	s0 =	sadd.s32 s0, s8;
	[dreg:$0xc] =	wrdreg s31;
	(pc) =	sbr.rel .LBB2_1-.Ltmp0, $4  }
0x13: {  	s24 =	sadd.s32 $0x27000, s4;
	s23 =	simm.s32 $0x3;
	[dreg:$0x7] =	wrdreg s0  }
0x14: {  	s25 =	simm.s32 $0x7;
	s14 =	sadd.s32 s5, s12;
	[dreg:$0x8] =	wrdreg s24  }
0x15: {  	s26 =	simm.s32 $0x50;
	s12 =	sadd.s32 s6, s12;
	[dreg:$0x5] =	wrdreg s14  }
0x16: {  	v0 =	vimm.f32 $0.0e+00;
	s24 =	simm.s32 $0x138C0;
	[dreg:$0x6] =	wrdreg s12;
	s12 =	sadd.s32 $0x1000, s10  }
.LBB2_11:
0x17: {  	_ =	swait.ge [sflag:s28], $0x2800  }
0x18: {  	[sflag:s28] =	ssyncset.done $0x0  }
0x19: {  	[sflag:s28] =	ssyncadd.s32 $0xFFFFD800  }
0x1a: {  	_ =	swait.ge [sflag:s23], $0x2800  }
0x1b: {  	[sflag:s23] =	ssyncset.done $0x0  }
0x1c: {  	s0 =	stileid.u32;
	[sflag:s23] =	ssyncadd.s32 $0xFFFFD800  }
0x1d: {  	s0 =	sshll.u32 s0, $0x6;
	[bflag:$0x0] =	sbarrier.arrive $0xFFFF  }
0x1e: {  	s4 =	sshrl.u32 s7, $0x3;
	s0 =	sor.u32 $0x1C07, s0;
	s8 =	rddreg [dreg:$0x7]  }
0x1f: {  	[hbm:s8], [sflag:s0] =	dma.local [spmem:s4], $0x2700  }
0x20: {  	_ =	swait.ge [sflag:s25], $0x2700  }
0x21: {  	[sflag:s25] =	ssyncset.done $0x0  }
0x22: {  	s4 =	sshrl.u32 @!p0 s9, $0x3;
	s8 =	rddreg [dreg:$0x8];
	[sflag:s25] =	ssyncadd.s32 $0xFFFFD900  }
0x23: {  	[hbm:s8], [sflag:s0] =	dma.local @!p0 [spmem:s4], $0x100  }
0x24: {  	s0 =	simm.s32 @!p0 $0x7  }
0x25: {  	_ =	swait.ge @!p0 [sflag:s0], $0x100  }
0x26: {  	s29 =	sadd.s32 $0x1, s29;
	s31 =	rddreg [dreg:$0x9]  }
0x27: {  	p1 =	sne.s32 s29, s31  }
.Ltmp1:
0x28: {  	_ = 	snop;
	(pc) =	sbr.rel @!p1 .LBB2_12-.Ltmp1, $3  }
0x29: {  	_ =	sdelay $0x1  }
0x2a: {  	[sflag:s0] =	ssyncset.done @!p0 $0x0  }
0x2b: {  	[sflag:s0] =	ssyncadd.s32 @!p0 $0xFFFFFF00  }
.LBB2_1:
0x2c: {  	s0 =	sand.u32 $0xFE00, s3  }
0x2d: {  	s4 =	sand.u32 $0x70, s3;
	s8 =	sshrl.u32 s0, $0x2  }
0x2e: {  	s0 =	simm.s32 $0x40;
	s8 =	sor.u32 s4, s8;
	s4 =	simm.s32 $0x0  }
.LBB2_2:
0x2f: {  	p1 =	sne.s32 s0, $0x9FC0  }
0x30: {  	[tilespmem:s8+$0x178C0] =	vst v0;
	s4 =	sadd.s32 $0x10, s4;
	s8 =	smov.u32 s0;
	s0 =	sadd.s32 $0x40, s0  }
.Ltmp2:
0x31: {  	(pc) =	sbr.rel @p1 .LBB2_2-.Ltmp2, $4  }
0x32: {  	_ = 	snop  }
0x33: {  	s8 =	sand.u32 $0xFE00, s8  }
0x34: {  	s10 =	sand.u32 $0x70, s4;
	s8 =	sshrl.u32 s8, $0x2  }
0x35: {  	s8 =	sor.u32 s10, s8  }
0x36: {  	[tilespmem:s8+$0x178C0] =	vst v0  }
0x37: {  	[spmem:s7] =	stream.linear.scatter [tilespmem:s22], [sflag:$0x3], $0x2800, $0x38;
	[tilespmem:$0x1C8C0] =	vst v63  }
0x38: {  	s0 =	rddreg [dreg:$0xa]  }
0x39: {  	[spmem:s0] =	stream.linear.scatter [tilespmem:s22], [sflag:$0x3], $0x2800, $0x38;
	[tilespmem:$0x1C8C0] =	vst v63  }
0x3a: {  	s14 =	rddreg [dreg:$0xb]  }
0x3b: {  	[spmem:s14] =	stream.linear.scatter [tilespmem:s22], [sflag:$0x3], $0x2800, $0x38;
	[tilespmem:$0x1C8C0] =	vst v63  }
0x3c: {  	s15 =	rddreg [dreg:$0xc]  }
0x3d: {  	[spmem:s15] =	stream.linear.scatter [tilespmem:s22], [sflag:$0x3], $0x2800, $0x38;
	[tilespmem:$0x1C8C0] =	vst v63  }
0x3e: {  	_ = 	snop  }
0x3f: {  	[spmem:s19] =	stream.linear.scatter [tilespmem:s22], [sflag:$0x3], $0x2800, $0x38;
	[tilespmem:$0x1C8C0] =	vst v63  }
0x40: {  	_ = 	snop  }
0x41: {  	[spmem:s20] =	stream.linear.scatter [tilespmem:s22], [sflag:$0x3], $0x2800, $0x38;
	[tilespmem:$0x1C8C0] =	vst v63  }
0x42: {  	_ = 	snop  }
0x43: {  	[spmem:s21] =	stream.linear.scatter [tilespmem:s22], [sflag:$0x3], $0x2800, $0x38;
	[tilespmem:$0x1C8C0] =	vst v63  }
0x44: {  	s16 =	rddreg [dreg:$0x4]  }
0x45: {  	[spmem:s16] =	stream.linear.scatter [tilespmem:s22], [sflag:$0x3], $0x2000, $0x38;
	[tilespmem:$0x1C8C0] =	vst v63  }
0x46: {  	s0 =	simm.s32 @!p0 $0x178C0  }
0x47: {  	[spmem:s9] =	stream.linear.scatter @!p0 [tilespmem:s0], [sflag:$0x3], $0x800, $0x38;
	[tilespmem:$0x1C8C0] =	vst v63  }
0x48: {  	_ =	swait.ge [sflag:s23], $0x2800  }
0x49: {  	[sflag:s23] =	ssyncset.done $0x0  }
0x4a: {  	[sflag:s23] =	ssyncadd.s32 $0xFFFFD800  }
0x4b: {  	_ =	swait.ge [sflag:s23], $0x2800  }
0x4c: {  	[sflag:s23] =	ssyncset.done $0x0  }
0x4d: {  	[sflag:s23] =	ssyncadd.s32 $0xFFFFD800  }
0x4e: {  	_ =	swait.ge [sflag:s23], $0x2800  }
0x4f: {  	[sflag:s23] =	ssyncset.done $0x0  }
0x50: {  	[sflag:s23] =	ssyncadd.s32 $0xFFFFD800  }
0x51: {  	_ =	swait.ge [sflag:s23], $0x2800  }
0x52: {  	[sflag:s23] =	ssyncset.done $0x0  }
0x53: {  	[sflag:s23] =	ssyncadd.s32 $0xFFFFD800  }
0x54: {  	_ =	swait.ge [sflag:s23], $0x2800  }
0x55: {  	[sflag:s23] =	ssyncset.done $0x0  }
0x56: {  	[sflag:s23] =	ssyncadd.s32 $0xFFFFD800  }
0x57: {  	_ =	swait.ge [sflag:s23], $0x2800  }
0x58: {  	[sflag:s23] =	ssyncset.done $0x0  }
0x59: {  	[sflag:s23] =	ssyncadd.s32 $0xFFFFD800  }
0x5a: {  	_ =	swait.ge [sflag:s23], $0x2800  }
0x5b: {  	[sflag:s23] =	ssyncset.done $0x0  }
0x5c: {  	[sflag:s23] =	ssyncadd.s32 $0xFFFFD800  }
0x5d: {  	_ =	swait.ge [sflag:s23], $0x2000  }
0x5e: {  	[sflag:s23] =	ssyncset.done $0x0  }
0x5f: {  	s0 =	simm.s32 @!p0 $0x3;
	[sflag:s23] =	ssyncadd.s32 $0xFFFFE000  }
0x60: {  	_ =	swait.ge @!p0 [sflag:s0], $0x800  }
0x61: {  	[sflag:s0] =	ssyncset.done @!p0 $0x0  }
0x62: {  	s30 =	simm.s32 $0x0;
	s17 =	rddreg [dreg:$0x5];
	[sflag:s0] =	ssyncadd.s32 @!p0 $0xFFFFF800  }
0x63: {  	[tilespmem:s24], [sflag:$0x7] =	stream.linear.gather [hbm4b:s17+s30], $0xC80, $0x38;
	[tilespmem:$0x1C8C0] =	vst v63  }
0x64: {  	_ =	swait.ge [sflag:s25], $0xC80  }
0x65: {  	[sflag:s25] =	ssyncset.done $0x0  }
0x66: {  	s31 =	simm.s32 $0x158C0;
	s18 =	rddreg [dreg:$0x6];
	[sflag:s25] =	ssyncadd.s32 $0xFFFFF380  }
0x67: {  	[tilespmem:s31], [sflag:$0x7] =	stream.linear.gather [hbm4b:s18+s30], $0xC80, $0x38;
	[tilespmem:$0x1C8C0] =	vst v63  }
0x68: {  	_ =	swait.ge [sflag:s25], $0xC80  }
0x69: {  	[sflag:s25] =	ssyncset.done $0x0  }
0x6a: {  	[sflag:s25] =	ssyncadd.s32 $0xFFFFF380  }
0x6b: {  	s4 =	simm.s32 $0x1;
	s0 =	simm.s32 $0x13940;
	[bflag:$0x0] =	sbarrier.arrive $0xFFFF  }
0x6c: {  	[tilespmem:s22], [sflag:$0x1] =	stream.indirect.gather [hbm4b:s1+s26], $0x80, s24, s26, $0xb8;
	[tilespmem:$0x1C8C0] =	vst v63  }
.LBB2_4:
0x6d: {  	s10 =	smulhi.u32 $0x51EB851F, s30;
	_ =	sdelay $0x1  }
0x6e: {  	p1 =	seq.s32 s30, $0x0;
	s11 =	sshrl.u32 s10, $0x3  }
0x6f: {  	p2 =	seq.s32 @!p1 s30, $0x7C;
	s14 =	smul.u32 $0x19, s11  }
0x70: {  	p1 =	por p2, p1;
	p2 =	sgt.u32 s30, $0x63  }
0x71: {  	p3 =	sne.s32 @!p2 s14, s30  }
0x72: {  	s8 =	sand.u32 $0x1, s30;
	s15 =	smul.u32 $0x29, s30;
	p2 =	por p2, p3  }
.Ltmp3:
0x73: {  	s13 =	sxor.u32 $0x1, s8;
	(pc) =	sbr.rel @p2 .LBB2_6-.Ltmp3, $4  }
0x74: {  	s17 =	sadd.s32 @!p1 $0x3, s13  }
0x75: {  	s16 =	sshrl.u32 s15, $0xA;
	_ =	swait.ge @!p1 [sflag:s17], $0x2800  }
0x76: {  	s15 =	sxor.u32 $0xFFFFFFFF, s16;
	[sflag:s17] =	ssyncset.done @!p1 $0x0  }
0x77: {  	s15 =	sand.u32 $0x1, s15;
	[sflag:s17] =	ssyncadd.s32 @!p1 $0xFFFFD800  }
0x78: {  	s14 =	sand.u32 $0x3F, s16  }
0x79: {  	s14 =	sshll.u32 s14, $0xC  }
0x7a: {  	s14 =	sadd.s32 s14, s12  }
.Ltmp4:
0x7b: {  	s16 =	sshll.u32 s15, $0xC;
	s14 =	sshrl.u32 s14, $0x3;
	(pc) =	sbr.rel .LBB2_9-.Ltmp4, $4  }
0x7c: {  	s15 =	sadd.s32 $0x5, s15;
	s17 =	sadd.s32 $0x138C0, s16;
	s18 =	sadd.s32 s5, s14  }
0x7d: {  	[tilespmem:s17], [sflag:s15] =	stream.linear.gather [hbm4b:s18+s3], $0xC80, $0x38;
	[tilespmem:$0x1C8C0] =	vst v63  }
0x7e: {  	s16 =	sadd.s32 $0x158C0, s16;
	s14 =	sadd.s32 s6, s14  }
0x7f: {  	[tilespmem:s16], [sflag:s15] =	stream.linear.gather [hbm4b:s14+s3], $0xC80, $0x38;
	[tilespmem:$0x1C8C0] =	vst v63  }
.LBB2_6:
0x80: {  	s14 =	sadd.s32 $0x18, s14;
	p1 =	seq.s32 s30, $0x7C  }
0x81: {  	p2 =	sne.s32 @!p1 s14, s30  }
0x82: {  	p2 =	por p1, p2  }
.Ltmp5:
0x83: {  	_ = 	snop;
	(pc) =	sbr.rel @p2 .LBB2_8-.Ltmp5, $1  }
0x84: {  	_ =	sdelay $0x3  }
0x85: {  	s14 =	sadd.s32 $0x5, s15  }
0x86: {  	_ =	swait.ge [sflag:s14], $0xC80  }
0x87: {  	[sflag:s14] =	ssyncset.done $0x0  }
0x88: {  	[sflag:s14] =	ssyncadd.s32 $0xFFFFF380  }
0x89: {  	_ =	swait.ge [sflag:s14], $0xC80  }
0x8a: {  	[sflag:s14] =	ssyncset.done $0x0  }
0x8b: {  	[sflag:s14] =	ssyncadd.s32 $0xFFFFF380  }
.LBB2_9:
0x8c: {  	s14 =	smulhi.u32 $0x51EB851F, s4;
	_ =	sdelay $0x1  }
0x8d: {  	s15 =	sshrl.u32 s14, $0x3  }
0x8e: {  	s14 =	sshll.u32 s14, $0xB;
	s15 =	smul.u32 $0x3200, s15  }
0x8f: {  	s16 =	smul.u32 $0xA000, s13;
	s14 =	sand.u32 $0x4000, s14  }
0x90: {  	s14 =	ssub.s32 s14, s15  }
0x91: {  	s17 =	sshrl.u32 s16, $0x2;
	s14 =	sshra.s32 s14, $0x2  }
0x92: {  	s18 =	sadd.s32 $0x1, s13;
	s15 =	sadd.s32 $0x178C0, s17;
	s14 =	sadd.s32 s14, s0  }
0x93: {  	[tilespmem:s15], [sflag:s18] =	stream.indirect.gather [hbm4b:s1+s26], $0x80, s14, s26, $0xb8;
	[tilespmem:$0x1C8C0] =	vst v63  }
.LBB2_10:
0x94: {  	s11 =	smul.u32 $0x3200, s11  }
0x95: {  	s10 =	sshll.u32 s10, $0xB;
	s17 =	smul.u32 $0xA000, s8  }
0x96: {  	s13 =	sadd.s32 $0x1, s8;
	s30 =	sadd.s32 $0x1, s30;
	s18 =	sadd.s32 $0x3, s8  }
0x97: {  	s0 =	sadd.s32 $0x80, s0;
	s4 =	sadd.s32 $0x1, s4;
	p1 =	sne.s32 s30, $0x7D  }
.Ltmp6:
0x98: {  	s10 =	sand.u32 $0x4000, s10;
	_ =	swait.ge [sflag:s13], $0x2800;
	(pc) =	sbr.rel @p1 .LBB2_4-.Ltmp6, $4  }
.Ltmp7:
0x99: {  	s10 =	ssub.s32 s10, s11;
	s11 =	sshrl.u32 s17, $0x2;
	(pc) =	sbr.rel @!p1 .LBB2_11-.Ltmp7, $4  }
0x9a: {  	[sflag:s13] =	ssyncset.done $0x0;
	s10 =	sshra.s32 s10, $0x2;
	s11 =	sadd.s32 $0x178C0, s11  }
0x9b: {  	[sflag:s13] =	ssyncadd.s32 $0xFFFFD800;
	s10 =	sadd.s32 s10, s31;
	s31 =	sadd.s32 $0x80, s31  }
0x9c: {  	[spmem:s2] =	stream.indirect.scatter.add.f32 [tilespmem:s11], [sflag:s18], $0x80, s10, s26, $0xb8;
	[tilespmem:$0x1C8C0] =	vst v63  }
0x9d: {  	_ = 	snop  }
.LBB2_8:
.Ltmp8:
0x9e: {  	(pc) =	sbr.rel @p1 .LBB2_10-.Ltmp8, $4  }
.Ltmp9:
0x9f: {  	(pc) =	sbr.rel @!p1 .LBB2_9-.Ltmp9, $4  }
0xa0: {  	_ = 	snop  }
0xa1: {  	_ = 	snop  }
0xa2: {  	_ = 	snop  }
0xa3: {  	_ = 	snop  }
.LBB2_12:
0xa4: {  	_ =	sfence.sel $0x180000  }
0xa5: {  	[bflag:$0x0] =	sbarrier.arrive $0xFFFF  }
0xa6: {  	_ =	strace $0x90000047  }
0xa7: {  	s0 =	stileid.u32;
	[bflag:$0x2] =	sbarrier.arrive $0xFFFF  }
0xa8: {  	p0 =	sne.s32 s0, $0x0;
	s0 =	rddreg [dreg:$0x3]  }
0xa9: {  	s0 =	sadd.s32 @!p0 $0x100000, s0  }
0xaa: {  	[sflag:s0] =	ssyncadd.tile.s32 @!p0 $0x1;
	_ =	shalt  }
.Lfunc_end2:
_tile_overlayer_lowered:
.L_overlay_start_2:
0xab: {  	(tag) =	ssettag $0x2  }
0xac: {  	s0 =	rddreg [dreg:$0x0];
	s2 =	stileid.u32  }
0xad: {  	s1 =	rddreg [dreg:$0x1];
	p0 =	sne.s32 s2, $0x0  }
0xae: {  	s3 =	rddreg [dreg:$0x2];
	[bflag:$0x3] =	sbarrier.arrive $0xFFFF;
	s2 =	simm.s32 @!p0 $0x1C07  }
0xaf: {  	[timem:s3], [sflag:s2] =	dma.local @!p0 [hbm:s0], s1  }
0xb0: {  	s0 =	simm.s32 @!p0 $0x7  }
0xb1: {  	_ =	swait.ge @!p0 [sflag:s0], s1  }
0xb2: {  	s1 =	ssub.s32 @!p0 $0x0, s1;
	[sflag:s0] =	ssyncset.done @!p0 $0x0  }
0xb3: {  	[sflag:s0] =	ssyncadd.s32 @!p0 s1  }
0xb4: {  	[bflag:$0x3] =	sbarrier.arrive $0xFFFF  }
0xb5: {  	_ =	shalt  }

// kernel: kernel.9.cloned.1.call-start
scs
__scs_entry_jumppad:
0x0: {  	(pc) =	sbr.rel $0x88, $3  }
0x1: {  	(tag) =	ssettag $0x0;
	lr =	simm.s32 $0x1  }
0x2: {  	[smem:$0x3F9D] =	sst lr;
	_ =	strace $0xD0000000  }
0x3: {  	_ = 	snop  }
0x4: {  	_ = 	snop  }
0x5: {  	_ = 	snop  }
0x6: {  	_ = 	snop  }
0x7: {  	_ = 	snop  }
__scs_overlays_trampoline_lowered:
0x8: {  	[smem:$0x3FAC] =	sst s0  }
0x9: {  	[smem:$0x3FAD] =	sst s1  }
0xa: {  	[smem:$0x3FAE] =	sst s2  }
0xb: {  	[smem:$0x3FAF] =	sst s3  }
0xc: {  	[smem:$0x3FB0] =	sst s4  }
0xd: {  	[smem:$0x3FB1] =	sst s5  }
0xe: {  	[smem:$0x3FB2] =	sst s6  }
0xf: {  	[smem:$0x3FB3] =	sst s7  }
0x10: {  	[smem:$0x3FB4] =	sst s8  }
0x11: {  	[smem:$0x3FB5] =	sst s9;
	s0 =	simm.s32 @!p0 $0x0  }
0x12: {  	s1 =	sld [smem:$0x3F9B];
	s0 =	simm.s32 @p0 $0x1  }
0x13: {  	[smem:$0x3FB6] =	sst s0;
	s0 =	simm.s32 @!p1 $0x0  }
0x14: {  	s2 =	sld [smem:$0x3F9A];
	s0 =	simm.s32 @p1 $0x1  }
0x15: {  	[smem:$0x3FB7] =	sst s0;
	s0 =	simm.s32 @!p2 $0x0  }
0x16: {  	s3 =	sld [smem:$0x3FDB];
	s0 =	simm.s32 @p2 $0x1  }
0x17: {  	s4 =	simm.s32 $0x1BF5;
	[smem:$0x3FB9] =	sst s0  }
0x18: {  	s0 =	sld [smem:$0x3F9C];
	_ =	swait.ge [sflag:s4], $0x0  }
0x19: {  	s7 =	sld [smem:$0x3F9D]  }
0x1a: {  	s8 =	sadd.s32 $0xFFFFE003, lr  }
0x1b: {  	s9 =	sadd.s32 $0xFFFFFEF7, lr;
	s5 =	simm.s32 $0xFFFFFFFF;
	p2 =	slt.u32 s8, $0xFFFFF086  }
0x1c: {  	p1 =	slt.u32 s9, $0xF7A;
	s5 =	simm.s32 @!p2 $0x0  }
0x1d: {  	s5 =	simm.s32 @p1 $0x1;
	p0 =	seq.s32 s7, s2  }
0x1e: {  	s7 =	smul.u32 @!p0 $0xF7A, s2;
	p2 =	seq.s32 @!p0 s5, $0x0  }
0x1f: {  	s9 =	smul.u32 $0xF7A, s1;
	s8 =	simm.s32 @!p0 $0x1BF5;
	p2 =	por !p2, p0  }
0x20: {  	[sflag:s8] =	ssyncset.s32 @!p0 $0xFFFFF086;
	s6 =	sadd.s32 @!p0 s3, s7;
	s7 =	simm.s32 @!p0 $0x108  }
0x21: {  	s3 =	sadd.s32 s3, s9;
	s6 =	sadd.s32 @!p0 $0x88, s6;
	s7 =	simm.s32 @p2 $0x1082  }
0x22: {  	[simem:s7], [sflag:s8] =	dma.local @!p0 [hbm:s6], $0xF7A  }
0x23: {  	s9 =	sor.u32 $0xD0000000, s2;
	s6 =	simm.s32 $0x108;
	_ =	swait.ge @!p0 [sflag:s8], $0x0  }
0x24: {  	s3 =	sadd.s32 $0x88, s3;
	s6 =	simm.s32 @!p1 $0x1082;
	[sflag:s4] =	ssyncset.s32 $0xFFFFF086  }
0x25: {  	[simem:s6], [sflag:s4] =	dma.local [hbm:s3], $0xF7A  }
0x26: {  	[smem:$0x3F9D] =	sst s1;
	(tag) =	ssettag s2;
	_ =	strace s9  }
0x27: {  	s1 =	sld [smem:$0x3FAD]  }
0x28: {  	s2 =	sld [smem:$0x3FAE]  }
0x29: {  	s4 =	sld [smem:$0x3FB0]  }
0x2a: {  	p0 =	seq.s32 s5, $0x0;
	s5 =	sld [smem:$0x3FB1]  }
0x2b: {  	s6 =	sld [smem:$0x3FB2]  }
0x2c: {  	s7 =	sld [smem:$0x3FB3]  }
0x2d: {  	s3 =	simm.s32 $0x108;
	s8 =	sld [smem:$0x3FB4]  }
0x2e: {  	s3 =	simm.s32 @!p0 $0x1082;
	s9 =	sld [smem:$0x3FB5]  }
0x2f: {  	lr =	sadd.s32 s0, s3;
	s0 =	sld [smem:$0x3FAC]  }
0x30: {  	s3 =	sld [smem:$0x3FAF]  }
0x31: {  	[smem:$0x3FB8] =	sst s10  }
0x32: {  	s10 =	sld [smem:$0x3FB6];
	_ =	sdelay $0x3  }
0x33: {  	p0 =	seq.s32 s10, $0x1;
	s10 =	sld [smem:$0x3FB8];
	_ =	sdelay $0x3  }
0x34: {  	[smem:$0x3FB8] =	sst s10  }
0x35: {  	s10 =	sld [smem:$0x3FB7];
	_ =	sdelay $0x3  }
0x36: {  	p1 =	seq.s32 s10, $0x1;
	s10 =	sld [smem:$0x3FB8];
	_ =	sdelay $0x3  }
0x37: {  	[smem:$0x3FB8] =	sst s10  }
0x38: {  	s10 =	sld [smem:$0x3FB9]  }
0x39: {  	_ = 	snop;
	(pc) =	sbr.ind lr, $3  }
0x3a: {  	_ = 	snop  }
0x3b: {  	_ = 	snop  }
0x3c: {  	p2 =	seq.s32 s10, $0x1;
	s10 =	sld [smem:$0x3FB8]  }
0x3d: {  	_ =	shalt  }
0x3e: {  	_ =	shalt  }
0x3f: {  	_ =	shalt  }
0x40: {  	_ =	shalt  }
0x41: {  	_ =	shalt  }
0x42: {  	_ =	shalt  }
0x43: {  	_ =	shalt  }
0x44: {  	_ =	shalt  }
0x45: {  	_ =	shalt  }
0x46: {  	_ =	shalt  }
0x47: {  	_ =	shalt  }
0x48: {  	_ =	shalt  }
0x49: {  	_ =	shalt  }
0x4a: {  	_ =	shalt  }
0x4b: {  	_ =	shalt  }
0x4c: {  	_ =	shalt  }
0x4d: {  	_ =	shalt  }
0x4e: {  	_ =	shalt  }
0x4f: {  	_ =	shalt  }
0x50: {  	_ =	shalt  }
0x51: {  	_ =	shalt  }
0x52: {  	_ =	shalt  }
0x53: {  	_ =	shalt  }
0x54: {  	_ =	shalt  }
0x55: {  	_ =	shalt  }
0x56: {  	_ =	shalt  }
0x57: {  	_ =	shalt  }
0x58: {  	_ =	shalt  }
0x59: {  	_ =	shalt  }
0x5a: {  	_ =	shalt  }
0x5b: {  	_ =	shalt  }
0x5c: {  	_ =	shalt  }
0x5d: {  	_ =	shalt  }
0x5e: {  	_ =	shalt  }
0x5f: {  	_ =	shalt  }
0x60: {  	_ =	shalt  }
0x61: {  	_ =	shalt  }
0x62: {  	_ =	shalt  }
0x63: {  	_ =	shalt  }
0x64: {  	_ =	shalt  }
0x65: {  	_ =	shalt  }
0x66: {  	_ =	shalt  }
0x67: {  	_ =	shalt  }
0x68: {  	_ =	shalt  }
0x69: {  	_ =	shalt  }
0x6a: {  	_ =	shalt  }
0x6b: {  	_ =	shalt  }
0x6c: {  	_ =	shalt  }
0x6d: {  	_ =	shalt  }
0x6e: {  	_ =	shalt  }
0x6f: {  	_ =	shalt  }
0x70: {  	_ =	shalt  }
0x71: {  	_ =	shalt  }
0x72: {  	_ =	shalt  }
0x73: {  	_ =	shalt  }
0x74: {  	_ =	shalt  }
0x75: {  	_ =	shalt  }
0x76: {  	_ =	shalt  }
0x77: {  	_ =	shalt  }
0x78: {  	_ =	shalt  }
0x79: {  	_ =	shalt  }
0x7a: {  	_ =	shalt  }
0x7b: {  	_ =	shalt  }
0x7c: {  	_ =	shalt  }
0x7d: {  	_ =	shalt  }
0x7e: {  	_ =	shalt  }
0x7f: {  	_ =	shalt  }
0x80: {  	_ =	shalt  }
0x81: {  	_ =	shalt  }
0x82: {  	_ =	shalt  }
0x83: {  	_ =	shalt  }
0x84: {  	_ =	shalt  }
0x85: {  	_ =	shalt  }
0x86: {  	_ =	shalt  }
0x87: {  	_ =	shalt  }
.Lfunc_end0:
.L_simem_size_0:
called_computation.1_lowered:
.L_overlay_start_0:
0x88: {  	s2 =	sld [smem:$0x3FD9]  }
0x89: {  	s3 =	sld [smem:$0x3FFE];
	_ =	sdelay $0x1  }
0x8a: {  	s1 =	srdreg.scid  }
0x8b: {  	s0 =	sand.u32 $0x1, s1  }
0x8c: {  	s17 =	sshll.u32 s0, $0xA;
	s2 =	sadd.s32 s3, s2  }
0x8d: {  	s2 =	sadd.s32 s2, s17  }
0x8e: {  	[smem:$0x3FC4] =	sst s2  }
0x8f: {  	_ = 	snop  }
0x90: {  	s2 =	sld [smem:$0x3FD0];
	(tm) =	ssettm $0x1  }
0x91: {  	s18 =	sld [smem:$0x3FFB];
	_ =	sdelay $0x3  }
0x92: {  	_ =	strace s18  }
0x93: {  	s3 =	sld [smem:$0x3FFC];
	_ =	sdelay $0x3  }
0x94: {  	_ =	strace s3  }
0x95: {  	s3 =	sld [smem:$0x3FFD];
	_ =	sdelay $0x3  }
0x96: {  	_ =	strace s3  }
0x97: {  	_ =	strace $0x8FFFFFFF  }
0x98: {  	s19 =	sld [smem:$0x3FDB];
	_ =	sdelay $0x1  }
0x99: {  	s4 =	simm.s32 $_scs_section_size  }
0x9a: {  	s5 =	simm.s32 $_size__tile_overlayer_lowered;
	s6 =	simm.s32 $_tile_overlayer_lowered  }
0x9b: {  	s22 =	simm.s32 $0x1BFF;
	s21 =	sshll.u32 s6, $0x1;
	s3 =	sadd.s32 s4, s19  }
0x9c: {  	s7 =	simm.s32 $0x0;
	s20 =	sshll.u32 s5, $0x1;
	s5 =	sadd.s32 s21, s3  }
0x9d: {  	[timem:s7], [sflag:s22] =	dma.local [hbm:s5], s20  }
0x9e: {  	_ =	swait.ge [sflag:s22], s20  }
0x9f: {  	s4 =	ssub.s32 $0x0, s20;
	[sflag:s22] =	ssyncset.done $0x0  }
0xa0: {  	[sflag:s22] =	ssyncadd.s32 s4;
	_ =	sdelay $0x1  }
0xa1: {  	s23 =	simm.s32 $0x1B8B  }
0xa2: {  	_ =	swait.ge [sflag:s23], $0x1  }
0xa3: {  	[sflag:s23] =	ssyncset.done $0x0  }
0xa4: {  	s25 =	simm.s32 $0x1B8E;
	s24 =	sld [smem:$0x3FFE];
	[sflag:s23] =	ssyncadd.s32 $0xFFFFFFFF  }
0xa5: {  	s26 =	simm.s32 $execute0_lowered;
	[smem:$0x3FD2] =	sst s25  }
0xa6: {  	s5 =	sshll.u32 s26, $0x1;
	_ =	strace $0x80000049;
	[dreg:$0x1] =	wrdreg $0xFFFFFFFF  }
0xa7: {  	s28 =	simm.s32 $_size_execute0_lowered;
	s3 =	sadd.s32 s3, s5;
	[dreg:$0x0] =	wrdreg $0x0  }
0xa8: {  	s5 =	sshll.u32 s28, $0x1;
	[dreg:$0x2] =	wrdreg s3  }
0xa9: {  	[dreg:$0x3] =	wrdreg s5  }
0xaa: {  	[dreg:$0x4] =	wrdreg $0xC0  }
0xab: {  	_ =	task [dreg:s7], $0x5FFFF  }
0xac: {  	[dreg:$0x1] =	wrdreg $0xFFFFFFFF  }
0xad: {  	[dreg:$0x0] =	wrdreg $0x60  }
0xae: {  	[dreg:$0x2] =	wrdreg s2  }
0xaf: {  	[dreg:$0x3] =	wrdreg s24  }
0xb0: {  	[dreg:$0x4] =	wrdreg $0x0  }
0xb1: {  	[dreg:$0x5] =	wrdreg $0x9  }
0xb2: {  	_ =	task.clear_ibuf [dreg:s7], $0x6FFFF;
	_ =	strace $0x90000049  }
0xb3: {  	s29 =	simm.s32 $0x9;
	_ =	strace $0x8000004B  }
0xb4: {  	_ =	swait.ge [sflag:s29], $0x1  }
0xb5: {  	[sflag:s29] =	ssyncadd.s32 $0xFFFFFFFF  }
0xb6: {  	_ =	strace $0x9000004B  }
0xb7: {  	_ =	sfence  }
0xb8: {  	s30 =	sld [smem:$0x0];
	_ =	sdelay $0x2  }
0xb9: {  	s31 =	sshll.u32 s1, $0xD;
	s1 =	sshrl.u32 s1, $0x2  }
0xba: {  	s3 =	sand.u32 $0x4000, s31;
	s1 =	sadd.s32 s1, s30  }
0xbb: {  	s0 =	sor.u32 s3, s0;
	s1 =	sshll.u32 s1, $0x11  }
0xbc: {  	s0 =	sor.u32 s1, s0  }
0xbd: {  	s0 =	sadd.s32 $0x8F2B, s0  }
0xbe: {  	[sflag:s0] =	ssyncadd.remote.s32 $0x1  }
0xbf: {  	_ =	sfence.sel $0xFFFF  }
0xc0: {  	[dreg:$0x0] =	wrdreg $0xFFFFFFFF;
	(pc) =	sbr.abs _section_cstart, $3  }
0xc1: {  	[dreg:$0x1] =	wrdreg $0xFFFFFFFF  }
0xc2: {  	_ =	task.clear_ibuf [dreg:s7], $0x2FFFF;
	_ =	strace $0x9FFFFFFF  }
0xc3: {  	(tm) =	ssettm $0x7FFFFFFF  }
tec
execute0_lowered:
.L_overlay_start_1:
0x0: {  	(tag) =	ssettag $0x1  }
0x1: {  	s1 =	rddreg [dreg:$0x0]  }
0x2: {  	s0 =	rddreg [dreg:$0x1]  }
0x3: {  	s2 =	rddreg [dreg:$0x2]  }
0x4: {  	s3 =	simm.s32 $0x0;
	s4 =	srdreg.scid;
	s13 =	stileid.u32  }
0x5: {  	s28 =	simm.s32 $0x4;
	s29 =	simm.s32 $0x0;
	[smem:$0x7FF] =	sst s3  }
0x6: {  	s4 =	sand.u32 $0x1, s4;
	s5 =	sadd.s32 $0x14A00, s0;
	s8 =	smul.u32 $0x4E000, s13  }
0x7: {  	s6 =	sadd.s32 $0xA00, s0;
	s0 =	sadd.s32 $0x28A00, s0;
	s22 =	smul.u32 $0x13800, s13  }
0x8: {  	p0 =	sne.s32 s13, $0xF;
	_ =	strace $0x8000004A;
	s7 =	sshll.u32 s4, $0x4  }
0x9: {  	s9 =	ssub.s32 $0x2, s4;
	s4 =	smul.u32 $0x138800, s4;
	s7 =	sor.u32 s13, s7  }
0xa: {  	s21 =	sshrl.u32 s9, $0x1;
	s8 =	sshrl.u32 s8, $0x2;
	s10 =	smul.u32 $0x5000, s7  }
0xb: {  	s11 =	ssub.s32 s9, s21;
	s7 =	sadd.s32 s8, s2;
	s9 =	sadd.s32 $0x138000, s2  }
0xc: {  	s8 =	sadd.s32 s22, s4;
	s4 =	sshrl.u32 s4, $0x3;
	s22 =	simm.s32 $0x178C0  }
0xd: {  	s23 =	sadd.s32 $0x11800, s7;
	s8 =	sshrl.u32 s8, $0x3;
	s4 =	sadd.s32 s0, s4  }
0xe: {  	s25 =	smax.u32 s11, $0x1;
	s26 =	sadd.s32 $0x2800, s7;
	[dreg:$0x4] =	wrdreg s23  }
0xf: {  	s30 =	sadd.s32 $0x5000, s7;
	s31 =	sadd.s32 $0x7800, s7;
	[dreg:$0x9] =	wrdreg s25  }
0x10: {  	s19 =	sadd.s32 $0xA000, s7;
	s20 =	sadd.s32 $0xC800, s7;
	[dreg:$0xa] =	wrdreg s26  }
0x11: {  	s21 =	sadd.s32 $0xF000, s7;
	s12 =	sshrl.u32 s10, $0x3;
	[dreg:$0xb] =	wrdreg s30  }
.Ltmp0:
0x12: {  	s0 =	sadd.s32 s0, s8;
	[dreg:$0xc] =	wrdreg s31;
	(pc) =	sbr.rel .LBB2_1-.Ltmp0, $4  }
0x13: {  	s24 =	sadd.s32 $0x27000, s4;
	s23 =	simm.s32 $0x3;
	[dreg:$0x7] =	wrdreg s0  }
0x14: {  	s25 =	simm.s32 $0x7;
	s14 =	sadd.s32 s5, s12;
	[dreg:$0x8] =	wrdreg s24  }
0x15: {  	s26 =	simm.s32 $0x50;
	s12 =	sadd.s32 s6, s12;
	[dreg:$0x5] =	wrdreg s14  }
0x16: {  	v0 =	vimm.f32 $0.0e+00;
	s24 =	simm.s32 $0x138C0;
	[dreg:$0x6] =	wrdreg s12;
	s12 =	sadd.s32 $0x1000, s10  }
.LBB2_11:
0x17: {  	_ =	swait.ge [sflag:s28], $0x2800  }
0x18: {  	[sflag:s28] =	ssyncset.done $0x0  }
0x19: {  	[sflag:s28] =	ssyncadd.s32 $0xFFFFD800  }
0x1a: {  	_ =	swait.ge [sflag:s23], $0x2800  }
0x1b: {  	[sflag:s23] =	ssyncset.done $0x0  }
0x1c: {  	s0 =	stileid.u32;
	[sflag:s23] =	ssyncadd.s32 $0xFFFFD800  }
0x1d: {  	s0 =	sshll.u32 s0, $0x6;
	[bflag:$0x0] =	sbarrier.arrive $0xFFFF  }
0x1e: {  	s4 =	sshrl.u32 s7, $0x3;
	s0 =	sor.u32 $0x1C07, s0;
	s8 =	rddreg [dreg:$0x7]  }
0x1f: {  	[hbm:s8], [sflag:s0] =	dma.local [spmem:s4], $0x2700  }
0x20: {  	_ =	swait.ge [sflag:s25], $0x2700  }
0x21: {  	[sflag:s25] =	ssyncset.done $0x0  }
0x22: {  	s4 =	sshrl.u32 @!p0 s9, $0x3;
	s8 =	rddreg [dreg:$0x8];
	[sflag:s25] =	ssyncadd.s32 $0xFFFFD900  }
0x23: {  	[hbm:s8], [sflag:s0] =	dma.local @!p0 [spmem:s4], $0x100  }
0x24: {  	s0 =	simm.s32 @!p0 $0x7  }
0x25: {  	_ =	swait.ge @!p0 [sflag:s0], $0x100  }
0x26: {  	s29 =	sadd.s32 $0x1, s29;
	s31 =	rddreg [dreg:$0x9]  }
0x27: {  	p1 =	sne.s32 s29, s31  }
.Ltmp1:
0x28: {  	_ = 	snop;
	(pc) =	sbr.rel @!p1 .LBB2_12-.Ltmp1, $3  }
0x29: {  	_ =	sdelay $0x1  }
0x2a: {  	[sflag:s0] =	ssyncset.done @!p0 $0x0  }
0x2b: {  	[sflag:s0] =	ssyncadd.s32 @!p0 $0xFFFFFF00  }
.LBB2_1:
0x2c: {  	s0 =	sand.u32 $0xFE00, s3  }
0x2d: {  	s4 =	sand.u32 $0x70, s3;
	s8 =	sshrl.u32 s0, $0x2  }
0x2e: {  	s0 =	simm.s32 $0x40;
	s8 =	sor.u32 s4, s8;
	s4 =	simm.s32 $0x0  }
.LBB2_2:
0x2f: {  	p1 =	sne.s32 s0, $0x9FC0  }
0x30: {  	[tilespmem:s8+$0x178C0] =	vst v0;
	s4 =	sadd.s32 $0x10, s4;
	s8 =	smov.u32 s0;
	s0 =	sadd.s32 $0x40, s0  }
.Ltmp2:
0x31: {  	(pc) =	sbr.rel @p1 .LBB2_2-.Ltmp2, $4  }
0x32: {  	_ = 	snop  }
0x33: {  	s8 =	sand.u32 $0xFE00, s8  }
0x34: {  	s10 =	sand.u32 $0x70, s4;
	s8 =	sshrl.u32 s8, $0x2  }
0x35: {  	s8 =	sor.u32 s10, s8  }
0x36: {  	[tilespmem:s8+$0x178C0] =	vst v0  }
0x37: {  	[spmem:s7] =	stream.linear.scatter [tilespmem:s22], [sflag:$0x3], $0x2800, $0x38;
	[tilespmem:$0x1C8C0] =	vst v63  }
0x38: {  	s0 =	rddreg [dreg:$0xa]  }
0x39: {  	[spmem:s0] =	stream.linear.scatter [tilespmem:s22], [sflag:$0x3], $0x2800, $0x38;
	[tilespmem:$0x1C8C0] =	vst v63  }
0x3a: {  	s14 =	rddreg [dreg:$0xb]  }
0x3b: {  	[spmem:s14] =	stream.linear.scatter [tilespmem:s22], [sflag:$0x3], $0x2800, $0x38;
	[tilespmem:$0x1C8C0] =	vst v63  }
0x3c: {  	s15 =	rddreg [dreg:$0xc]  }
0x3d: {  	[spmem:s15] =	stream.linear.scatter [tilespmem:s22], [sflag:$0x3], $0x2800, $0x38;
	[tilespmem:$0x1C8C0] =	vst v63  }
0x3e: {  	_ = 	snop  }
0x3f: {  	[spmem:s19] =	stream.linear.scatter [tilespmem:s22], [sflag:$0x3], $0x2800, $0x38;
	[tilespmem:$0x1C8C0] =	vst v63  }
0x40: {  	_ = 	snop  }
0x41: {  	[spmem:s20] =	stream.linear.scatter [tilespmem:s22], [sflag:$0x3], $0x2800, $0x38;
	[tilespmem:$0x1C8C0] =	vst v63  }
0x42: {  	_ = 	snop  }
0x43: {  	[spmem:s21] =	stream.linear.scatter [tilespmem:s22], [sflag:$0x3], $0x2800, $0x38;
	[tilespmem:$0x1C8C0] =	vst v63  }
0x44: {  	s16 =	rddreg [dreg:$0x4]  }
0x45: {  	[spmem:s16] =	stream.linear.scatter [tilespmem:s22], [sflag:$0x3], $0x2000, $0x38;
	[tilespmem:$0x1C8C0] =	vst v63  }
0x46: {  	s0 =	simm.s32 @!p0 $0x178C0  }
0x47: {  	[spmem:s9] =	stream.linear.scatter @!p0 [tilespmem:s0], [sflag:$0x3], $0x800, $0x38;
	[tilespmem:$0x1C8C0] =	vst v63  }
0x48: {  	_ =	swait.ge [sflag:s23], $0x2800  }
0x49: {  	[sflag:s23] =	ssyncset.done $0x0  }
0x4a: {  	[sflag:s23] =	ssyncadd.s32 $0xFFFFD800  }
0x4b: {  	_ =	swait.ge [sflag:s23], $0x2800  }
0x4c: {  	[sflag:s23] =	ssyncset.done $0x0  }
0x4d: {  	[sflag:s23] =	ssyncadd.s32 $0xFFFFD800  }
0x4e: {  	_ =	swait.ge [sflag:s23], $0x2800  }
0x4f: {  	[sflag:s23] =	ssyncset.done $0x0  }
0x50: {  	[sflag:s23] =	ssyncadd.s32 $0xFFFFD800  }
0x51: {  	_ =	swait.ge [sflag:s23], $0x2800  }
0x52: {  	[sflag:s23] =	ssyncset.done $0x0  }
0x53: {  	[sflag:s23] =	ssyncadd.s32 $0xFFFFD800  }
0x54: {  	_ =	swait.ge [sflag:s23], $0x2800  }
0x55: {  	[sflag:s23] =	ssyncset.done $0x0  }
0x56: {  	[sflag:s23] =	ssyncadd.s32 $0xFFFFD800  }
0x57: {  	_ =	swait.ge [sflag:s23], $0x2800  }
0x58: {  	[sflag:s23] =	ssyncset.done $0x0  }
0x59: {  	[sflag:s23] =	ssyncadd.s32 $0xFFFFD800  }
0x5a: {  	_ =	swait.ge [sflag:s23], $0x2800  }
0x5b: {  	[sflag:s23] =	ssyncset.done $0x0  }
0x5c: {  	[sflag:s23] =	ssyncadd.s32 $0xFFFFD800  }
0x5d: {  	_ =	swait.ge [sflag:s23], $0x2000  }
0x5e: {  	[sflag:s23] =	ssyncset.done $0x0  }
0x5f: {  	s0 =	simm.s32 @!p0 $0x3;
	[sflag:s23] =	ssyncadd.s32 $0xFFFFE000  }
0x60: {  	_ =	swait.ge @!p0 [sflag:s0], $0x800  }
0x61: {  	[sflag:s0] =	ssyncset.done @!p0 $0x0  }
0x62: {  	s30 =	simm.s32 $0x0;
	s17 =	rddreg [dreg:$0x5];
	[sflag:s0] =	ssyncadd.s32 @!p0 $0xFFFFF800  }
0x63: {  	[tilespmem:s24], [sflag:$0x7] =	stream.linear.gather [hbm4b:s17+s30], $0xC80, $0x38;
	[tilespmem:$0x1C8C0] =	vst v63  }
0x64: {  	_ =	swait.ge [sflag:s25], $0xC80  }
0x65: {  	[sflag:s25] =	ssyncset.done $0x0  }
0x66: {  	s31 =	simm.s32 $0x158C0;
	s18 =	rddreg [dreg:$0x6];
	[sflag:s25] =	ssyncadd.s32 $0xFFFFF380  }
0x67: {  	[tilespmem:s31], [sflag:$0x7] =	stream.linear.gather [hbm4b:s18+s30], $0xC80, $0x38;
	[tilespmem:$0x1C8C0] =	vst v63  }
0x68: {  	_ =	swait.ge [sflag:s25], $0xC80  }
0x69: {  	[sflag:s25] =	ssyncset.done $0x0  }
0x6a: {  	[sflag:s25] =	ssyncadd.s32 $0xFFFFF380  }
0x6b: {  	s4 =	simm.s32 $0x1;
	s0 =	simm.s32 $0x13940;
	[bflag:$0x0] =	sbarrier.arrive $0xFFFF  }
0x6c: {  	[tilespmem:s22], [sflag:$0x1] =	stream.indirect.gather [hbm4b:s1+s26], $0x80, s24, s26, $0xb8;
	[tilespmem:$0x1C8C0] =	vst v63  }
.LBB2_4:
0x6d: {  	s10 =	smulhi.u32 $0x51EB851F, s30;
	_ =	sdelay $0x1  }
0x6e: {  	p1 =	seq.s32 s30, $0x0;
	s11 =	sshrl.u32 s10, $0x3  }
0x6f: {  	p2 =	seq.s32 @!p1 s30, $0x7C;
	s14 =	smul.u32 $0x19, s11  }
0x70: {  	p1 =	por p2, p1;
	p2 =	sgt.u32 s30, $0x63  }
0x71: {  	p3 =	sne.s32 @!p2 s14, s30  }
0x72: {  	s8 =	sand.u32 $0x1, s30;
	s15 =	smul.u32 $0x29, s30;
	p2 =	por p2, p3  }
.Ltmp3:
0x73: {  	s13 =	sxor.u32 $0x1, s8;
	(pc) =	sbr.rel @p2 .LBB2_6-.Ltmp3, $4  }
0x74: {  	s17 =	sadd.s32 @!p1 $0x3, s13  }
0x75: {  	s16 =	sshrl.u32 s15, $0xA;
	_ =	swait.ge @!p1 [sflag:s17], $0x2800  }
0x76: {  	s15 =	sxor.u32 $0xFFFFFFFF, s16;
	[sflag:s17] =	ssyncset.done @!p1 $0x0  }
0x77: {  	s15 =	sand.u32 $0x1, s15;
	[sflag:s17] =	ssyncadd.s32 @!p1 $0xFFFFD800  }
0x78: {  	s14 =	sand.u32 $0x3F, s16  }
0x79: {  	s14 =	sshll.u32 s14, $0xC  }
0x7a: {  	s14 =	sadd.s32 s14, s12  }
.Ltmp4:
0x7b: {  	s16 =	sshll.u32 s15, $0xC;
	s14 =	sshrl.u32 s14, $0x3;
	(pc) =	sbr.rel .LBB2_9-.Ltmp4, $4  }
0x7c: {  	s15 =	sadd.s32 $0x5, s15;
	s17 =	sadd.s32 $0x138C0, s16;
	s18 =	sadd.s32 s5, s14  }
0x7d: {  	[tilespmem:s17], [sflag:s15] =	stream.linear.gather [hbm4b:s18+s3], $0xC80, $0x38;
	[tilespmem:$0x1C8C0] =	vst v63  }
0x7e: {  	s16 =	sadd.s32 $0x158C0, s16;
	s14 =	sadd.s32 s6, s14  }
0x7f: {  	[tilespmem:s16], [sflag:s15] =	stream.linear.gather [hbm4b:s14+s3], $0xC80, $0x38;
	[tilespmem:$0x1C8C0] =	vst v63  }
.LBB2_6:
0x80: {  	s14 =	sadd.s32 $0x18, s14;
	p1 =	seq.s32 s30, $0x7C  }
0x81: {  	p2 =	sne.s32 @!p1 s14, s30  }
0x82: {  	p2 =	por p1, p2  }
.Ltmp5:
0x83: {  	_ = 	snop;
	(pc) =	sbr.rel @p2 .LBB2_8-.Ltmp5, $1  }
0x84: {  	_ =	sdelay $0x3  }
0x85: {  	s14 =	sadd.s32 $0x5, s15  }
0x86: {  	_ =	swait.ge [sflag:s14], $0xC80  }
0x87: {  	[sflag:s14] =	ssyncset.done $0x0  }
0x88: {  	[sflag:s14] =	ssyncadd.s32 $0xFFFFF380  }
0x89: {  	_ =	swait.ge [sflag:s14], $0xC80  }
0x8a: {  	[sflag:s14] =	ssyncset.done $0x0  }
0x8b: {  	[sflag:s14] =	ssyncadd.s32 $0xFFFFF380  }
.LBB2_9:
0x8c: {  	s14 =	smulhi.u32 $0x51EB851F, s4;
	_ =	sdelay $0x1  }
0x8d: {  	s15 =	sshrl.u32 s14, $0x3  }
0x8e: {  	s14 =	sshll.u32 s14, $0xB;
	s15 =	smul.u32 $0x3200, s15  }
0x8f: {  	s16 =	smul.u32 $0xA000, s13;
	s14 =	sand.u32 $0x4000, s14  }
0x90: {  	s14 =	ssub.s32 s14, s15  }
0x91: {  	s17 =	sshrl.u32 s16, $0x2;
	s14 =	sshra.s32 s14, $0x2  }
0x92: {  	s18 =	sadd.s32 $0x1, s13;
	s15 =	sadd.s32 $0x178C0, s17;
	s14 =	sadd.s32 s14, s0  }
0x93: {  	[tilespmem:s15], [sflag:s18] =	stream.indirect.gather [hbm4b:s1+s26], $0x80, s14, s26, $0xb8;
	[tilespmem:$0x1C8C0] =	vst v63  }
.LBB2_10:
0x94: {  	s11 =	smul.u32 $0x3200, s11  }
0x95: {  	s10 =	sshll.u32 s10, $0xB;
	s17 =	smul.u32 $0xA000, s8  }
0x96: {  	s13 =	sadd.s32 $0x1, s8;
	s30 =	sadd.s32 $0x1, s30;
	s18 =	sadd.s32 $0x3, s8  }
0x97: {  	s0 =	sadd.s32 $0x80, s0;
	s4 =	sadd.s32 $0x1, s4;
	p1 =	sne.s32 s30, $0x7D  }
.Ltmp6:
0x98: {  	s10 =	sand.u32 $0x4000, s10;
	_ =	swait.ge [sflag:s13], $0x2800;
	(pc) =	sbr.rel @p1 .LBB2_4-.Ltmp6, $4  }
.Ltmp7:
0x99: {  	s10 =	ssub.s32 s10, s11;
	s11 =	sshrl.u32 s17, $0x2;
	(pc) =	sbr.rel @!p1 .LBB2_11-.Ltmp7, $4  }
0x9a: {  	[sflag:s13] =	ssyncset.done $0x0;
	s10 =	sshra.s32 s10, $0x2;
	s11 =	sadd.s32 $0x178C0, s11  }
0x9b: {  	[sflag:s13] =	ssyncadd.s32 $0xFFFFD800;
	s10 =	sadd.s32 s10, s31;
	s31 =	sadd.s32 $0x80, s31  }
0x9c: {  	[spmem:s2] =	stream.indirect.scatter.add.f32 [tilespmem:s11], [sflag:s18], $0x80, s10, s26, $0xb8;
	[tilespmem:$0x1C8C0] =	vst v63  }
0x9d: {  	_ = 	snop  }
.LBB2_8:
.Ltmp8:
0x9e: {  	(pc) =	sbr.rel @p1 .LBB2_10-.Ltmp8, $4  }
.Ltmp9:
0x9f: {  	(pc) =	sbr.rel @!p1 .LBB2_9-.Ltmp9, $4  }
0xa0: {  	_ = 	snop  }
0xa1: {  	_ = 	snop  }
0xa2: {  	_ = 	snop  }
0xa3: {  	_ = 	snop  }
.LBB2_12:
0xa4: {  	_ =	sfence.sel $0x180000  }
0xa5: {  	[bflag:$0x0] =	sbarrier.arrive $0xFFFF  }
0xa6: {  	_ =	strace $0x9000004A  }
0xa7: {  	s0 =	stileid.u32;
	[bflag:$0x2] =	sbarrier.arrive $0xFFFF  }
0xa8: {  	p0 =	sne.s32 s0, $0x0;
	s0 =	rddreg [dreg:$0x3]  }
0xa9: {  	s0 =	sadd.s32 @!p0 $0x100000, s0  }
0xaa: {  	[sflag:s0] =	ssyncadd.tile.s32 @!p0 $0x1;
	_ =	shalt  }
.Lfunc_end2:
_tile_overlayer_lowered:
.L_overlay_start_2:
0xab: {  	(tag) =	ssettag $0x2  }
0xac: {  	s0 =	rddreg [dreg:$0x0];
	s2 =	stileid.u32  }
0xad: {  	s1 =	rddreg [dreg:$0x1];
	p0 =	sne.s32 s2, $0x0  }
0xae: {  	s3 =	rddreg [dreg:$0x2];
	[bflag:$0x3] =	sbarrier.arrive $0xFFFF;
	s2 =	simm.s32 @!p0 $0x1C07  }
0xaf: {  	[timem:s3], [sflag:s2] =	dma.local @!p0 [hbm:s0], s1  }
0xb0: {  	s0 =	simm.s32 @!p0 $0x7  }
0xb1: {  	_ =	swait.ge @!p0 [sflag:s0], s1  }
0xb2: {  	s1 =	ssub.s32 @!p0 $0x0, s1;
	[sflag:s0] =	ssyncset.done @!p0 $0x0  }
0xb3: {  	[sflag:s0] =	ssyncadd.s32 @!p0 s1  }
0xb4: {  	[bflag:$0x3] =	sbarrier.arrive $0xFFFF  }
0xb5: {  	_ =	shalt  }

</sc_bundles>
